<compile_context>
chip_gen: v7x
topology: tpu7x:2x2x1
jax: 0.10.2.dev20260603
libtpu: 0.0.44.dev20260713+nightly
codegen_flags: <defaults>
</compile_context>

<pallas_src>
import functools

import jax
import jax.numpy as jnp
from jax import lax
from jax.experimental import pallas as pl
from jax.experimental.pallas import tpu as pltpu
from jax.experimental.pallas import tpu_sc as plsc

D = 32
NC = 2
NS = 16
NW = NC * NS
CH = 1280


def _make_gather(total):
    bpw = total // NW
    nchunk = bpw // CH
    mesh = plsc.VectorSubcoreMesh(core_axis_name="c", subcore_axis_name="s")

    @functools.partial(
        pl.kernel,
        mesh=mesh,
        out_type=jax.ShapeDtypeStruct((total, D), jnp.float32),
        scratch_types=[
            pltpu.VMEM((CH,), jnp.int32),
            pltpu.VMEM((CH,), jnp.int32),
            pltpu.VMEM((CH, D), jnp.float32),
            pltpu.VMEM((CH, D), jnp.float32),
            pltpu.SemaphoreType.DMA,
            pltpu.SemaphoreType.DMA,
            pltpu.SemaphoreType.DMA,
        ],
        compiler_params=pltpu.CompilerParams(use_tc_tiling_on_sc=False),
    )
    def gather_kernel(idx_hbm, table_hbm, out_hbm,
                      idx_v0, idx_v1, rows_v0, rows_v1, gsem, ssem0, ssem1):
        wid = lax.axis_index("s") * NC + lax.axis_index("c")
        base = wid * bpw
        idx_vs = (idx_v0, idx_v1)
        rows_vs = (rows_v0, rows_v1)
        ssems = (ssem0, ssem1)
        gathers = [None, None]
        stores = [None, None]
        pltpu.sync_copy(idx_hbm.at[pl.ds(base, CH)], idx_v0)
        gathers[0] = pltpu.async_copy(table_hbm.at[idx_v0], rows_v0, gsem)
        if nchunk > 1:
            pltpu.sync_copy(idx_hbm.at[pl.ds(base + CH, CH)], idx_v1)
        for c in range(nchunk):
            b = c % 2
            gathers[b].wait()
            stores[b] = pltpu.async_copy(
                rows_vs[b], out_hbm.at[pl.ds(base + c * CH, CH)], ssems[b])
            if c + 1 < nchunk:
                nb_ = 1 - b
                if stores[nb_] is not None:
                    stores[nb_].wait()
                gathers[nb_] = pltpu.async_copy(
                    table_hbm.at[idx_vs[nb_]], rows_vs[nb_], gsem)
                if c + 2 < nchunk:
                    pltpu.sync_copy(
                        idx_hbm.at[pl.ds(base + (c + 2) * CH, CH)], idx_vs[b])
        if nchunk > 1:
            stores[(nchunk - 2) % 2].wait()
        stores[(nchunk - 1) % 2].wait()

    return gather_kernel


def kernel(indices, weight):
    nb, nh = indices.shape
    flat = indices.T.reshape(-1).astype(jnp.int32)
    out = _make_gather(flat.shape[0])(flat, weight)
    return out.reshape(nh, nb, weight.shape[1]).transpose(1, 0, 2)

# --- scband reference (transcript-rebuilt; emitter-appended) ---
"""Pipeline reference for scband-embedding-57947698758234 (READ-ONLY COPY).

The authoritative reference and input builder live on the scoring server;
editing this copy changes nothing except your own understanding.
"""

import jax, jax.numpy as jnp
import numpy as np

COUNT = 1000000
SIZE = 32
BATCH = 16384
HIST = 50

def setup_inputs(seed: int = 0) -> dict:
    key = jax.random.key(seed)
    k_idx, k_w = jax.random.split(key)
    indices = jax.random.randint(k_idx, (BATCH, HIST), 0, COUNT, dtype=jnp.int64 if jax.config.jax_enable_x64 else jnp.int32)
    weight = jax.random.normal(k_w, (COUNT, SIZE), dtype=jnp.float32)
    return {"indices": indices, "weight": weight}

def reference(indices, weight):
    # nn.Embedding forward: gather rows of the table
    return jnp.take(weight, indices, axis=0)

if __name__ == "__main__":
    import jax
    _d = setup_inputs()
    print(jax.jit(kernel)(*tuple(_d.values())))

</pallas_src>

<mosaic_0001>
#map = affine_map<(d0, d1) -> (0)>
#map1 = affine_map<(d0, d1) -> (0, 0)>
module attributes {stable_mosaic.version = 14 : i64} {
  func.func @gather_kernel(%arg0: i32, %arg1: i32, %arg2: memref<819200xi32, #tpu.memory_space<hbm>>, %arg3: memref<1000000x32xf32, #tpu.memory_space<hbm>>, %arg4: memref<819200x32xf32, #tpu.memory_space<hbm>>, %arg5: memref<1280xi32, #tpu.memory_space<vmem>>, %arg6: memref<1280xi32, #tpu.memory_space<vmem>>, %arg7: memref<1280x32xf32, #tpu.memory_space<vmem>>, %arg8: memref<1280x32xf32, #tpu.memory_space<vmem>>, %arg9: memref<!tpu.dma_semaphore, #tpu.memory_space<semaphore_mem>>, %arg10: memref<!tpu.dma_semaphore, #tpu.memory_space<semaphore_mem>>, %arg11: memref<!tpu.dma_semaphore, #tpu.memory_space<semaphore_mem>>) attributes {dimension_semantics = [#tpu.dimension_semantics<core_parallel>, #tpu.dimension_semantics<subcore_parallel>], iteration_bounds = array<i64: 2, 16>, scalar_prefetch = 0 : i64, scratch_operands = 7 : i64, tpu.core_type = #tpu.core_type<sc_vector_subcore>, window_params = [{transform_indices = #map}, {transform_indices = #map1}, {transform_indices = #map1}]} {
    %mul3A = arith.constant 2 : i32
    %mul3A_0 = arith.muli %arg1, %mul3A : i32
    %add3A = arith.addi %mul3A_0, %arg0 : i32
    %mul3A_1 = arith.constant 25600 : i32
    %mul3A_2 = arith.muli %add3A, %mul3A_1 : i32
    "tpu.region"() ({
      %run_scoped3A = tpu.sem_alloc : memref<!tpu.dma_semaphore, #tpu.memory_space<semaphore_mem>>
      %dma_start3A_359 = tpu.memref_slice %arg2[%mul3A_2] : memref<819200xi32, #tpu.memory_space<hbm>> -> memref<1280xi32, #tpu.memory_space<hbm>>
      %dma_start3A_360 = tpu.memref_slice %arg2[%mul3A_2] : memref<819200xi32, #tpu.memory_space<hbm>> -> memref<1280xi32, #tpu.memory_space<hbm>>
      tpu.enqueue_dma source(%dma_start3A_360 : memref<1280xi32, #tpu.memory_space<hbm>>) target(%arg5 : memref<1280xi32, #tpu.memory_space<vmem>>) target_semaphore(%run_scoped3A : memref<!tpu.dma_semaphore, #tpu.memory_space<semaphore_mem>>)
      %dma_wait3A_361 = tpu.memref_slice %arg2[%mul3A_2] : memref<819200xi32, #tpu.memory_space<hbm>> -> memref<1280xi32, #tpu.memory_space<hbm>>
      %dma_wait3A_362 = tpu.memref_slice %arg2[%mul3A_2] : memref<819200xi32, #tpu.memory_space<hbm>> -> memref<1280xi32, #tpu.memory_space<hbm>>
      tpu.wait_dma2 semaphore(%run_scoped3A : memref<!tpu.dma_semaphore, #tpu.memory_space<semaphore_mem>>) src(%dma_wait3A_362 : memref<1280xi32, #tpu.memory_space<hbm>>) dst(%arg5 : memref<1280xi32, #tpu.memory_space<vmem>>)
      tpu.yield
    }) : () -> ()
    %dma_start3A = arith.constant 0 : i32
    %dma_start3A_3 = arith.constant 0 : i32
    %dma_start3A_4 = tpu.memref_slice %arg3[%dma_start3A, %dma_start3A_3] : memref<1000000x32xf32, #tpu.memory_space<hbm>> -> memref<1000000x32xf32, #tpu.memory_space<hbm>>
    tpu.enqueue_indirect_dma source(%dma_start3A_4 : memref<1000000x32xf32, #tpu.memory_space<hbm>>) target(%arg7 : memref<1280x32xf32, #tpu.memory_space<vmem>>) offsets(%arg5 : memref<1280xi32, #tpu.memory_space<vmem>>) semaphore(%arg9 : memref<!tpu.dma_semaphore, #tpu.memory_space<semaphore_mem>>)
    %add3A_5 = arith.constant 1280 : i32
    %add3A_6 = arith.addi %mul3A_2, %add3A_5 : i32
    "tpu.region"() ({
      %run_scoped3A = tpu.sem_alloc : memref<!tpu.dma_semaphore, #tpu.memory_space<semaphore_mem>>
      %dma_start3A_359 = tpu.memref_slice %arg2[%add3A_6] : memref<819200xi32, #tpu.memory_space<hbm>> -> memref<1280xi32, #tpu.memory_space<hbm>>
      %dma_start3A_360 = tpu.memref_slice %arg2[%add3A_6] : memref<819200xi32, #tpu.memory_space<hbm>> -> memref<1280xi32, #tpu.memory_space<hbm>>
      tpu.enqueue_dma source(%dma_start3A_360 : memref<1280xi32, #tpu.memory_space<hbm>>) target(%arg6 : memref<1280xi32, #tpu.memory_space<vmem>>) target_semaphore(%run_scoped3A : memref<!tpu.dma_semaphore, #tpu.memory_space<semaphore_mem>>)
      %dma_wait3A_361 = tpu.memref_slice %arg2[%add3A_6] : memref<819200xi32, #tpu.memory_space<hbm>> -> memref<1280xi32, #tpu.memory_space<hbm>>
      %dma_wait3A_362 = tpu.memref_slice %arg2[%add3A_6] : memref<819200xi32, #tpu.memory_space<hbm>> -> memref<1280xi32, #tpu.memory_space<hbm>>
      tpu.wait_dma2 semaphore(%run_scoped3A : memref<!tpu.dma_semaphore, #tpu.memory_space<semaphore_mem>>) src(%dma_wait3A_362 : memref<1280xi32, #tpu.memory_space<hbm>>) dst(%arg6 : memref<1280xi32, #tpu.memory_space<vmem>>)
      tpu.yield
    }) : () -> ()
    %dma_wait3A = arith.constant 0 : i32
    %dma_wait3A_7 = arith.constant 0 : i32
    %dma_wait3A_8 = tpu.memref_slice %arg3[%dma_wait3A, %dma_wait3A_7] : memref<1000000x32xf32, #tpu.memory_space<hbm>> -> memref<1000000x32xf32, #tpu.memory_space<hbm>>
    tpu.wait_indirect_dma semaphore(%arg9 : memref<!tpu.dma_semaphore, #tpu.memory_space<semaphore_mem>>) src(%dma_wait3A_8 : memref<1000000x32xf32, #tpu.memory_space<hbm>>) dst(%arg7 : memref<1280x32xf32, #tpu.memory_space<vmem>>)
    %add3A_9 = arith.constant 0 : i32
    %add3A_10 = arith.addi %mul3A_2, %add3A_9 : i32
    %dma_start3A_11 = arith.constant 0 : i32
    %dma_start3A_12 = tpu.memref_slice %arg4[%add3A_10, %dma_start3A_11] : memref<819200x32xf32, #tpu.memory_space<hbm>> -> memref<1280x32xf32, #tpu.memory_space<hbm>>
    %dma_start3A_13 = arith.constant 0 : i32
    %dma_start3A_14 = tpu.memref_slice %arg4[%add3A_10, %dma_start3A_13] : memref<819200x32xf32, #tpu.memory_space<hbm>> -> memref<1280x32xf32, #tpu.memory_space<hbm>>
    tpu.enqueue_dma source(%arg7 : memref<1280x32xf32, #tpu.memory_space<vmem>>) target(%dma_start3A_14 : memref<1280x32xf32, #tpu.memory_space<hbm>>) target_semaphore(%arg10 : memref<!tpu.dma_semaphore, #tpu.memory_space<semaphore_mem>>)
    %dma_start3A_15 = arith.constant 0 : i32
    %dma_start3A_16 = arith.constant 0 : i32
    %dma_start3A_17 = tpu.memref_slice %arg3[%dma_start3A_15, %dma_start3A_16] : memref<1000000x32xf32, #tpu.memory_space<hbm>> -> memref<1000000x32xf32, #tpu.memory_space<hbm>>
    tpu.enqueue_indirect_dma source(%dma_start3A_17 : memref<1000000x32xf32, #tpu.memory_space<hbm>>) target(%arg8 : memref<1280x32xf32, #tpu.memory_space<vmem>>) offsets(%arg6 : memref<1280xi32, #tpu.memory_space<vmem>>) semaphore(%arg9 : memref<!tpu.dma_semaphore, #tpu.memory_space<semaphore_mem>>)
    %add3A_18 = arith.constant 2560 : i32
    %add3A_19 = arith.addi %mul3A_2, %add3A_18 : i32
    "tpu.region"() ({
      %run_scoped3A = tpu.sem_alloc : memref<!tpu.dma_semaphore, #tpu.memory_space<semaphore_mem>>
      %dma_start3A_359 = tpu.memref_slice %arg2[%add3A_19] : memref<819200xi32, #tpu.memory_space<hbm>> -> memref<1280xi32, #tpu.memory_space<hbm>>
      %dma_start3A_360 = tpu.memref_slice %arg2[%add3A_19] : memref<819200xi32, #tpu.memory_space<hbm>> -> memref<1280xi32, #tpu.memory_space<hbm>>
      tpu.enqueue_dma source(%dma_start3A_360 : memref<1280xi32, #tpu.memory_space<hbm>>) target(%arg5 : memref<1280xi32, #tpu.memory_space<vmem>>) target_semaphore(%run_scoped3A : memref<!tpu.dma_semaphore, #tpu.memory_space<semaphore_mem>>)
      %dma_wait3A_361 = tpu.memref_slice %arg2[%add3A_19] : memref<819200xi32, #tpu.memory_space<hbm>> -> memref<1280xi32, #tpu.memory_space<hbm>>
      %dma_wait3A_362 = tpu.memref_slice %arg2[%add3A_19] : memref<819200xi32, #tpu.memory_space<hbm>> -> memref<1280xi32, #tpu.memory_space<hbm>>
      tpu.wait_dma2 semaphore(%run_scoped3A : memref<!tpu.dma_semaphore, #tpu.memory_space<semaphore_mem>>) src(%dma_wait3A_362 : memref<1280xi32, #tpu.memory_space<hbm>>) dst(%arg5 : memref<1280xi32, #tpu.memory_space<vmem>>)
      tpu.yield
    }) : () -> ()
    %dma_wait3A_20 = arith.constant 0 : i32
    %dma_wait3A_21 = arith.constant 0 : i32
    %dma_wait3A_22 = tpu.memref_slice %arg3[%dma_wait3A_20, %dma_wait3A_21] : memref<1000000x32xf32, #tpu.memory_space<hbm>> -> memref<1000000x32xf32, #tpu.memory_space<hbm>>
    tpu.wait_indirect_dma semaphore(%arg9 : memref<!tpu.dma_semaphore, #tpu.memory_space<semaphore_mem>>) src(%dma_wait3A_22 : memref<1000000x32xf32, #tpu.memory_space<hbm>>) dst(%arg8 : memref<1280x32xf32, #tpu.memory_space<vmem>>)
    %add3A_23 = arith.constant 1280 : i32
    %add3A_24 = arith.addi %mul3A_2, %add3A_23 : i32
    %dma_start3A_25 = arith.constant 0 : i32
    %dma_start3A_26 = tpu.memref_slice %arg4[%add3A_24, %dma_start3A_25] : memref<819200x32xf32, #tpu.memory_space<hbm>> -> memref<1280x32xf32, #tpu.memory_space<hbm>>
    %dma_start3A_27 = arith.constant 0 : i32
    %dma_start3A_28 = tpu.memref_slice %arg4[%add3A_24, %dma_start3A_27] : memref<819200x32xf32, #tpu.memory_space<hbm>> -> memref<1280x32xf32, #tpu.memory_space<hbm>>
    tpu.enqueue_dma source(%arg8 : memref<1280x32xf32, #tpu.memory_space<vmem>>) target(%dma_start3A_28 : memref<1280x32xf32, #tpu.memory_space<hbm>>) target_semaphore(%arg11 : memref<!tpu.dma_semaphore, #tpu.memory_space<semaphore_mem>>)
    %dma_wait3A_29 = arith.constant 0 : i32
    %dma_wait3A_30 = tpu.memref_slice %arg4[%add3A_10, %dma_wait3A_29] : memref<819200x32xf32, #tpu.memory_space<hbm>> -> memref<1280x32xf32, #tpu.memory_space<hbm>>
    %dma_wait3A_31 = arith.constant 0 : i32
    %dma_wait3A_32 = tpu.memref_slice %arg4[%add3A_10, %dma_wait3A_31] : memref<819200x32xf32, #tpu.memory_space<hbm>> -> memref<1280x32xf32, #tpu.memory_space<hbm>>
    tpu.wait_dma2 semaphore(%arg10 : memref<!tpu.dma_semaphore, #tpu.memory_space<semaphore_mem>>) src(%arg7 : memref<1280x32xf32, #tpu.memory_space<vmem>>) dst(%dma_wait3A_32 : memref<1280x32xf32, #tpu.memory_space<hbm>>)
    %dma_start3A_33 = arith.constant 0 : i32
    %dma_start3A_34 = arith.constant 0 : i32
    %dma_start3A_35 = tpu.memref_slice %arg3[%dma_start3A_33, %dma_start3A_34] : memref<1000000x32xf32, #tpu.memory_space<hbm>> -> memref<1000000x32xf32, #tpu.memory_space<hbm>>
    tpu.enqueue_indirect_dma source(%dma_start3A_35 : memref<1000000x32xf32, #tpu.memory_space<hbm>>) target(%arg7 : memref<1280x32xf32, #tpu.memory_space<vmem>>) offsets(%arg5 : memref<1280xi32, #tpu.memory_space<vmem>>) semaphore(%arg9 : memref<!tpu.dma_semaphore, #tpu.memory_space<semaphore_mem>>)
    %add3A_36 = arith.constant 3840 : i32
    %add3A_37 = arith.addi %mul3A_2, %add3A_36 : i32
    "tpu.region"() ({
      %run_scoped3A = tpu.sem_alloc : memref<!tpu.dma_semaphore, #tpu.memory_space<semaphore_mem>>
      %dma_start3A_359 = tpu.memref_slice %arg2[%add3A_37] : memref<819200xi32, #tpu.memory_space<hbm>> -> memref<1280xi32, #tpu.memory_space<hbm>>
      %dma_start3A_360 = tpu.memref_slice %arg2[%add3A_37] : memref<819200xi32, #tpu.memory_space<hbm>> -> memref<1280xi32, #tpu.memory_space<hbm>>
      tpu.enqueue_dma source(%dma_start3A_360 : memref<1280xi32, #tpu.memory_space<hbm>>) target(%arg6 : memref<1280xi32, #tpu.memory_space<vmem>>) target_semaphore(%run_scoped3A : memref<!tpu.dma_semaphore, #tpu.memory_space<semaphore_mem>>)
      %dma_wait3A_361 = tpu.memref_slice %arg2[%add3A_37] : memref<819200xi32, #tpu.memory_space<hbm>> -> memref<1280xi32, #tpu.memory_space<hbm>>
      %dma_wait3A_362 = tpu.memref_slice %arg2[%add3A_37] : memref<819200xi32, #tpu.memory_space<hbm>> -> memref<1280xi32, #tpu.memory_space<hbm>>
      tpu.wait_dma2 semaphore(%run_scoped3A : memref<!tpu.dma_semaphore, #tpu.memory_space<semaphore_mem>>) src(%dma_wait3A_362 : memref<1280xi32, #tpu.memory_space<hbm>>) dst(%arg6 : memref<1280xi32, #tpu.memory_space<vmem>>)
      tpu.yield
    }) : () -> ()
    %dma_wait3A_38 = arith.constant 0 : i32
    %dma_wait3A_39 = arith.constant 0 : i32
    %dma_wait3A_40 = tpu.memref_slice %arg3[%dma_wait3A_38, %dma_wait3A_39] : memref<1000000x32xf32, #tpu.memory_space<hbm>> -> memref<1000000x32xf32, #tpu.memory_space<hbm>>
    tpu.wait_indirect_dma semaphore(%arg9 : memref<!tpu.dma_semaphore, #tpu.memory_space<semaphore_mem>>) src(%dma_wait3A_40 : memref<1000000x32xf32, #tpu.memory_space<hbm>>) dst(%arg7 : memref<1280x32xf32, #tpu.memory_space<vmem>>)
    %add3A_41 = arith.constant 2560 : i32
    %add3A_42 = arith.addi %mul3A_2, %add3A_41 : i32
    %dma_start3A_43 = arith.constant 0 : i32
    %dma_start3A_44 = tpu.memref_slice %arg4[%add3A_42, %dma_start3A_43] : memref<819200x32xf32, #tpu.memory_space<hbm>> -> memref<1280x32xf32, #tpu.memory_space<hbm>>
    %dma_start3A_45 = arith.constant 0 : i32
    %dma_start3A_46 = tpu.memref_slice %arg4[%add3A_42, %dma_start3A_45] : memref<819200x32xf32, #tpu.memory_space<hbm>> -> memref<1280x32xf32, #tpu.memory_space<hbm>>
    tpu.enqueue_dma source(%arg7 : memref<1280x32xf32, #tpu.memory_space<vmem>>) target(%dma_start3A_46 : memref<1280x32xf32, #tpu.memory_space<hbm>>) target_semaphore(%arg10 : memref<!tpu.dma_semaphore, #tpu.memory_space<semaphore_mem>>)
    %dma_wait3A_47 = arith.constant 0 : i32
    %dma_wait3A_48 = tpu.memref_slice %arg4[%add3A_24, %dma_wait3A_47] : memref<819200x32xf32, #tpu.memory_space<hbm>> -> memref<1280x32xf32, #tpu.memory_space<hbm>>
    %dma_wait3A_49 = arith.constant 0 : i32
    %dma_wait3A_50 = tpu.memref_slice %arg4[%add3A_24, %dma_wait3A_49] : memref<819200x32xf32, #tpu.memory_space<hbm>> -> memref<1280x32xf32, #tpu.memory_space<hbm>>
    tpu.wait_dma2 semaphore(%arg11 : memref<!tpu.dma_semaphore, #tpu.memory_space<semaphore_mem>>) src(%arg8 : memref<1280x32xf32, #tpu.memory_space<vmem>>) dst(%dma_wait3A_50 : memref<1280x32xf32, #tpu.memory_space<hbm>>)
    %dma_start3A_51 = arith.constant 0 : i32
    %dma_start3A_52 = arith.constant 0 : i32
    %dma_start3A_53 = tpu.memref_slice %arg3[%dma_start3A_51, %dma_start3A_52] : memref<1000000x32xf32, #tpu.memory_space<hbm>> -> memref<1000000x32xf32, #tpu.memory_space<hbm>>
    tpu.enqueue_indirect_dma source(%dma_start3A_53 : memref<1000000x32xf32, #tpu.memory_space<hbm>>) target(%arg8 : memref<1280x32xf32, #tpu.memory_space<vmem>>) offsets(%arg6 : memref<1280xi32, #tpu.memory_space<vmem>>) semaphore(%arg9 : memref<!tpu.dma_semaphore, #tpu.memory_space<semaphore_mem>>)
    %add3A_54 = arith.constant 5120 : i32
    %add3A_55 = arith.addi %mul3A_2, %add3A_54 : i32
    "tpu.region"() ({
      %run_scoped3A = tpu.sem_alloc : memref<!tpu.dma_semaphore, #tpu.memory_space<semaphore_mem>>
      %dma_start3A_359 = tpu.memref_slice %arg2[%add3A_55] : memref<819200xi32, #tpu.memory_space<hbm>> -> memref<1280xi32, #tpu.memory_space<hbm>>
      %dma_start3A_360 = tpu.memref_slice %arg2[%add3A_55] : memref<819200xi32, #tpu.memory_space<hbm>> -> memref<1280xi32, #tpu.memory_space<hbm>>
      tpu.enqueue_dma source(%dma_start3A_360 : memref<1280xi32, #tpu.memory_space<hbm>>) target(%arg5 : memref<1280xi32, #tpu.memory_space<vmem>>) target_semaphore(%run_scoped3A : memref<!tpu.dma_semaphore, #tpu.memory_space<semaphore_mem>>)
      %dma_wait3A_361 = tpu.memref_slice %arg2[%add3A_55] : memref<819200xi32, #tpu.memory_space<hbm>> -> memref<1280xi32, #tpu.memory_space<hbm>>
      %dma_wait3A_362 = tpu.memref_slice %arg2[%add3A_55] : memref<819200xi32, #tpu.memory_space<hbm>> -> memref<1280xi32, #tpu.memory_space<hbm>>
      tpu.wait_dma2 semaphore(%run_scoped3A : memref<!tpu.dma_semaphore, #tpu.memory_space<semaphore_mem>>) src(%dma_wait3A_362 : memref<1280xi32, #tpu.memory_space<hbm>>) dst(%arg5 : memref<1280xi32, #tpu.memory_space<vmem>>)
      tpu.yield
    }) : () -> ()
    %dma_wait3A_56 = arith.constant 0 : i32
    %dma_wait3A_57 = arith.constant 0 : i32
    %dma_wait3A_58 = tpu.memref_slice %arg3[%dma_wait3A_56, %dma_wait3A_57] : memref<1000000x32xf32, #tpu.memory_space<hbm>> -> memref<1000000x32xf32, #tpu.memory_space<hbm>>
    tpu.wait_indirect_dma semaphore(%arg9 : memref<!tpu.dma_semaphore, #tpu.memory_space<semaphore_mem>>) src(%dma_wait3A_58 : memref<1000000x32xf32, #tpu.memory_space<hbm>>) dst(%arg8 : memref<1280x32xf32, #tpu.memory_space<vmem>>)
    %add3A_59 = arith.constant 3840 : i32
    %add3A_60 = arith.addi %mul3A_2, %add3A_59 : i32
    %dma_start3A_61 = arith.constant 0 : i32
    %dma_start3A_62 = tpu.memref_slice %arg4[%add3A_60, %dma_start3A_61] : memref<819200x32xf32, #tpu.memory_space<hbm>> -> memref<1280x32xf32, #tpu.memory_space<hbm>>
    %dma_start3A_63 = arith.constant 0 : i32
    %dma_start3A_64 = tpu.memref_slice %arg4[%add3A_60, %dma_start3A_63] : memref<819200x32xf32, #tpu.memory_space<hbm>> -> memref<1280x32xf32, #tpu.memory_space<hbm>>
    tpu.enqueue_dma source(%arg8 : memref<1280x32xf32, #tpu.memory_space<vmem>>) target(%dma_start3A_64 : memref<1280x32xf32, #tpu.memory_space<hbm>>) target_semaphore(%arg11 : memref<!tpu.dma_semaphore, #tpu.memory_space<semaphore_mem>>)
    %dma_wait3A_65 = arith.constant 0 : i32
    %dma_wait3A_66 = tpu.memref_slice %arg4[%add3A_42, %dma_wait3A_65] : memref<819200x32xf32, #tpu.memory_space<hbm>> -> memref<1280x32xf32, #tpu.memory_space<hbm>>
    %dma_wait3A_67 = arith.constant 0 : i32
    %dma_wait3A_68 = tpu.memref_slice %arg4[%add3A_42, %dma_wait3A_67] : memref<819200x32xf32, #tpu.memory_space<hbm>> -> memref<1280x32xf32, #tpu.memory_space<hbm>>
    tpu.wait_dma2 semaphore(%arg10 : memref<!tpu.dma_semaphore, #tpu.memory_space<semaphore_mem>>) src(%arg7 : memref<1280x32xf32, #tpu.memory_space<vmem>>) dst(%dma_wait3A_68 : memref<1280x32xf32, #tpu.memory_space<hbm>>)
    %dma_start3A_69 = arith.constant 0 : i32
    %dma_start3A_70 = arith.constant 0 : i32
    %dma_start3A_71 = tpu.memref_slice %arg3[%dma_start3A_69, %dma_start3A_70] : memref<1000000x32xf32, #tpu.memory_space<hbm>> -> memref<1000000x32xf32, #tpu.memory_space<hbm>>
    tpu.enqueue_indirect_dma source(%dma_start3A_71 : memref<1000000x32xf32, #tpu.memory_space<hbm>>) target(%arg7 : memref<1280x32xf32, #tpu.memory_space<vmem>>) offsets(%arg5 : memref<1280xi32, #tpu.memory_space<vmem>>) semaphore(%arg9 : memref<!tpu.dma_semaphore, #tpu.memory_space<semaphore_mem>>)
    %add3A_72 = arith.constant 6400 : i32
    %add3A_73 = arith.addi %mul3A_2, %add3A_72 : i32
    "tpu.region"() ({
      %run_scoped3A = tpu.sem_alloc : memref<!tpu.dma_semaphore, #tpu.memory_space<semaphore_mem>>
      %dma_start3A_359 = tpu.memref_slice %arg2[%add3A_73] : memref<819200xi32, #tpu.memory_space<hbm>> -> memref<1280xi32, #tpu.memory_space<hbm>>
      %dma_start3A_360 = tpu.memref_slice %arg2[%add3A_73] : memref<819200xi32, #tpu.memory_space<hbm>> -> memref<1280xi32, #tpu.memory_space<hbm>>
      tpu.enqueue_dma source(%dma_start3A_360 : memref<1280xi32, #tpu.memory_space<hbm>>) target(%arg6 : memref<1280xi32, #tpu.memory_space<vmem>>) target_semaphore(%run_scoped3A : memref<!tpu.dma_semaphore, #tpu.memory_space<semaphore_mem>>)
      %dma_wait3A_361 = tpu.memref_slice %arg2[%add3A_73] : memref<819200xi32, #tpu.memory_space<hbm>> -> memref<1280xi32, #tpu.memory_space<hbm>>
      %dma_wait3A_362 = tpu.memref_slice %arg2[%add3A_73] : memref<819200xi32, #tpu.memory_space<hbm>> -> memref<1280xi32, #tpu.memory_space<hbm>>
      tpu.wait_dma2 semaphore(%run_scoped3A : memref<!tpu.dma_semaphore, #tpu.memory_space<semaphore_mem>>) src(%dma_wait3A_362 : memref<1280xi32, #tpu.memory_space<hbm>>) dst(%arg6 : memref<1280xi32, #tpu.memory_space<vmem>>)
      tpu.yield
    }) : () -> ()
    %dma_wait3A_74 = arith.constant 0 : i32
    %dma_wait3A_75 = arith.constant 0 : i32
    %dma_wait3A_76 = tpu.memref_slice %arg3[%dma_wait3A_74, %dma_wait3A_75] : memref<1000000x32xf32, #tpu.memory_space<hbm>> -> memref<1000000x32xf32, #tpu.memory_space<hbm>>
    tpu.wait_indirect_dma semaphore(%arg9 : memref<!tpu.dma_semaphore, #tpu.memory_space<semaphore_mem>>) src(%dma_wait3A_76 : memref<1000000x32xf32, #tpu.memory_space<hbm>>) dst(%arg7 : memref<1280x32xf32, #tpu.memory_space<vmem>>)
    %add3A_77 = arith.constant 5120 : i32
    %add3A_78 = arith.addi %mul3A_2, %add3A_77 : i32
    %dma_start3A_79 = arith.constant 0 : i32
    %dma_start3A_80 = tpu.memref_slice %arg4[%add3A_78, %dma_start3A_79] : memref<819200x32xf32, #tpu.memory_space<hbm>> -> memref<1280x32xf32, #tpu.memory_space<hbm>>
    %dma_start3A_81 = arith.constant 0 : i32
    %dma_start3A_82 = tpu.memref_slice %arg4[%add3A_78, %dma_start3A_81] : memref<819200x32xf32, #tpu.memory_space<hbm>> -> memref<1280x32xf32, #tpu.memory_space<hbm>>
    tpu.enqueue_dma source(%arg7 : memref<1280x32xf32, #tpu.memory_space<vmem>>) target(%dma_start3A_82 : memref<1280x32xf32, #tpu.memory_space<hbm>>) target_semaphore(%arg10 : memref<!tpu.dma_semaphore, #tpu.memory_space<semaphore_mem>>)
    %dma_wait3A_83 = arith.constant 0 : i32
    %dma_wait3A_84 = tpu.memref_slice %arg4[%add3A_60, %dma_wait3A_83] : memref<819200x32xf32, #tpu.memory_space<hbm>> -> memref<1280x32xf32, #tpu.memory_space<hbm>>
    %dma_wait3A_85 = arith.constant 0 : i32
    %dma_wait3A_86 = tpu.memref_slice %arg4[%add3A_60, %dma_wait3A_85] : memref<819200x32xf32, #tpu.memory_space<hbm>> -> memref<1280x32xf32, #tpu.memory_space<hbm>>
    tpu.wait_dma2 semaphore(%arg11 : memref<!tpu.dma_semaphore, #tpu.memory_space<semaphore_mem>>) src(%arg8 : memref<1280x32xf32, #tpu.memory_space<vmem>>) dst(%dma_wait3A_86 : memref<1280x32xf32, #tpu.memory_space<hbm>>)
    %dma_start3A_87 = arith.constant 0 : i32
    %dma_start3A_88 = arith.constant 0 : i32
    %dma_start3A_89 = tpu.memref_slice %arg3[%dma_start3A_87, %dma_start3A_88] : memref<1000000x32xf32, #tpu.memory_space<hbm>> -> memref<1000000x32xf32, #tpu.memory_space<hbm>>
    tpu.enqueue_indirect_dma source(%dma_start3A_89 : memref<1000000x32xf32, #tpu.memory_space<hbm>>) target(%arg8 : memref<1280x32xf32, #tpu.memory_space<vmem>>) offsets(%arg6 : memref<1280xi32, #tpu.memory_space<vmem>>) semaphore(%arg9 : memref<!tpu.dma_semaphore, #tpu.memory_space<semaphore_mem>>)
    %add3A_90 = arith.constant 7680 : i32
    %add3A_91 = arith.addi %mul3A_2, %add3A_90 : i32
    "tpu.region"() ({
      %run_scoped3A = tpu.sem_alloc : memref<!tpu.dma_semaphore, #tpu.memory_space<semaphore_mem>>
      %dma_start3A_359 = tpu.memref_slice %arg2[%add3A_91] : memref<819200xi32, #tpu.memory_space<hbm>> -> memref<1280xi32, #tpu.memory_space<hbm>>
      %dma_start3A_360 = tpu.memref_slice %arg2[%add3A_91] : memref<819200xi32, #tpu.memory_space<hbm>> -> memref<1280xi32, #tpu.memory_space<hbm>>
      tpu.enqueue_dma source(%dma_start3A_360 : memref<1280xi32, #tpu.memory_space<hbm>>) target(%arg5 : memref<1280xi32, #tpu.memory_space<vmem>>) target_semaphore(%run_scoped3A : memref<!tpu.dma_semaphore, #tpu.memory_space<semaphore_mem>>)
      %dma_wait3A_361 = tpu.memref_slice %arg2[%add3A_91] : memref<819200xi32, #tpu.memory_space<hbm>> -> memref<1280xi32, #tpu.memory_space<hbm>>
      %dma_wait3A_362 = tpu.memref_slice %arg2[%add3A_91] : memref<819200xi32, #tpu.memory_space<hbm>> -> memref<1280xi32, #tpu.memory_space<hbm>>
      tpu.wait_dma2 semaphore(%run_scoped3A : memref<!tpu.dma_semaphore, #tpu.memory_space<semaphore_mem>>) src(%dma_wait3A_362 : memref<1280xi32, #tpu.memory_space<hbm>>) dst(%arg5 : memref<1280xi32, #tpu.memory_space<vmem>>)
      tpu.yield
    }) : () -> ()
    %dma_wait3A_92 = arith.constant 0 : i32
    %dma_wait3A_93 = arith.constant 0 : i32
    %dma_wait3A_94 = tpu.memref_slice %arg3[%dma_wait3A_92, %dma_wait3A_93] : memref<1000000x32xf32, #tpu.memory_space<hbm>> -> memref<1000000x32xf32, #tpu.memory_space<hbm>>
    tpu.wait_indirect_dma semaphore(%arg9 : memref<!tpu.dma_semaphore, #tpu.memory_space<semaphore_mem>>) src(%dma_wait3A_94 : memref<1000000x32xf32, #tpu.memory_space<hbm>>) dst(%arg8 : memref<1280x32xf32, #tpu.memory_space<vmem>>)
    %add3A_95 = arith.constant 6400 : i32
    %add3A_96 = arith.addi %mul3A_2, %add3A_95 : i32
    %dma_start3A_97 = arith.constant 0 : i32
    %dma_start3A_98 = tpu.memref_slice %arg4[%add3A_96, %dma_start3A_97] : memref<819200x32xf32, #tpu.memory_space<hbm>> -> memref<1280x32xf32, #tpu.memory_space<hbm>>
    %dma_start3A_99 = arith.constant 0 : i32
    %dma_start3A_100 = tpu.memref_slice %arg4[%add3A_96, %dma_start3A_99] : memref<819200x32xf32, #tpu.memory_space<hbm>> -> memref<1280x32xf32, #tpu.memory_space<hbm>>
    tpu.enqueue_dma source(%arg8 : memref<1280x32xf32, #tpu.memory_space<vmem>>) target(%dma_start3A_100 : memref<1280x32xf32, #tpu.memory_space<hbm>>) target_semaphore(%arg11 : memref<!tpu.dma_semaphore, #tpu.memory_space<semaphore_mem>>)
    %dma_wait3A_101 = arith.constant 0 : i32
    %dma_wait3A_102 = tpu.memref_slice %arg4[%add3A_78, %dma_wait3A_101] : memref<819200x32xf32, #tpu.memory_space<hbm>> -> memref<1280x32xf32, #tpu.memory_space<hbm>>
    %dma_wait3A_103 = arith.constant 0 : i32
    %dma_wait3A_104 = tpu.memref_slice %arg4[%add3A_78, %dma_wait3A_103] : memref<819200x32xf32, #tpu.memory_space<hbm>> -> memref<1280x32xf32, #tpu.memory_space<hbm>>
    tpu.wait_dma2 semaphore(%arg10 : memref<!tpu.dma_semaphore, #tpu.memory_space<semaphore_mem>>) src(%arg7 : memref<1280x32xf32, #tpu.memory_space<vmem>>) dst(%dma_wait3A_104 : memref<1280x32xf32, #tpu.memory_space<hbm>>)
    %dma_start3A_105 = arith.constant 0 : i32
    %dma_start3A_106 = arith.constant 0 : i32
    %dma_start3A_107 = tpu.memref_slice %arg3[%dma_start3A_105, %dma_start3A_106] : memref<1000000x32xf32, #tpu.memory_space<hbm>> -> memref<1000000x32xf32, #tpu.memory_space<hbm>>
    tpu.enqueue_indirect_dma source(%dma_start3A_107 : memref<1000000x32xf32, #tpu.memory_space<hbm>>) target(%arg7 : memref<1280x32xf32, #tpu.memory_space<vmem>>) offsets(%arg5 : memref<1280xi32, #tpu.memory_space<vmem>>) semaphore(%arg9 : memref<!tpu.dma_semaphore, #tpu.memory_space<semaphore_mem>>)
    %add3A_108 = arith.constant 8960 : i32
    %add3A_109 = arith.addi %mul3A_2, %add3A_108 : i32
    "tpu.region"() ({
      %run_scoped3A = tpu.sem_alloc : memref<!tpu.dma_semaphore, #tpu.memory_space<semaphore_mem>>
      %dma_start3A_359 = tpu.memref_slice %arg2[%add3A_109] : memref<819200xi32, #tpu.memory_space<hbm>> -> memref<1280xi32, #tpu.memory_space<hbm>>
      %dma_start3A_360 = tpu.memref_slice %arg2[%add3A_109] : memref<819200xi32, #tpu.memory_space<hbm>> -> memref<1280xi32, #tpu.memory_space<hbm>>
      tpu.enqueue_dma source(%dma_start3A_360 : memref<1280xi32, #tpu.memory_space<hbm>>) target(%arg6 : memref<1280xi32, #tpu.memory_space<vmem>>) target_semaphore(%run_scoped3A : memref<!tpu.dma_semaphore, #tpu.memory_space<semaphore_mem>>)
      %dma_wait3A_361 = tpu.memref_slice %arg2[%add3A_109] : memref<819200xi32, #tpu.memory_space<hbm>> -> memref<1280xi32, #tpu.memory_space<hbm>>
      %dma_wait3A_362 = tpu.memref_slice %arg2[%add3A_109] : memref<819200xi32, #tpu.memory_space<hbm>> -> memref<1280xi32, #tpu.memory_space<hbm>>
      tpu.wait_dma2 semaphore(%run_scoped3A : memref<!tpu.dma_semaphore, #tpu.memory_space<semaphore_mem>>) src(%dma_wait3A_362 : memref<1280xi32, #tpu.memory_space<hbm>>) dst(%arg6 : memref<1280xi32, #tpu.memory_space<vmem>>)
      tpu.yield
    }) : () -> ()
    %dma_wait3A_110 = arith.constant 0 : i32
    %dma_wait3A_111 = arith.constant 0 : i32
    %dma_wait3A_112 = tpu.memref_slice %arg3[%dma_wait3A_110, %dma_wait3A_111] : memref<1000000x32xf32, #tpu.memory_space<hbm>> -> memref<1000000x32xf32, #tpu.memory_space<hbm>>
    tpu.wait_indirect_dma semaphore(%arg9 : memref<!tpu.dma_semaphore, #tpu.memory_space<semaphore_mem>>) src(%dma_wait3A_112 : memref<1000000x32xf32, #tpu.memory_space<hbm>>) dst(%arg7 : memref<1280x32xf32, #tpu.memory_space<vmem>>)
    %add3A_113 = arith.constant 7680 : i32
    %add3A_114 = arith.addi %mul3A_2, %add3A_113 : i32
    %dma_start3A_115 = arith.constant 0 : i32
    %dma_start3A_116 = tpu.memref_slice %arg4[%add3A_114, %dma_start3A_115] : memref<819200x32xf32, #tpu.memory_space<hbm>> -> memref<1280x32xf32, #tpu.memory_space<hbm>>
    %dma_start3A_117 = arith.constant 0 : i32
    %dma_start3A_118 = tpu.memref_slice %arg4[%add3A_114, %dma_start3A_117] : memref<819200x32xf32, #tpu.memory_space<hbm>> -> memref<1280x32xf32, #tpu.memory_space<hbm>>
    tpu.enqueue_dma source(%arg7 : memref<1280x32xf32, #tpu.memory_space<vmem>>) target(%dma_start3A_118 : memref<1280x32xf32, #tpu.memory_space<hbm>>) target_semaphore(%arg10 : memref<!tpu.dma_semaphore, #tpu.memory_space<semaphore_mem>>)
    %dma_wait3A_119 = arith.constant 0 : i32
    %dma_wait3A_120 = tpu.memref_slice %arg4[%add3A_96, %dma_wait3A_119] : memref<819200x32xf32, #tpu.memory_space<hbm>> -> memref<1280x32xf32, #tpu.memory_space<hbm>>
    %dma_wait3A_121 = arith.constant 0 : i32
    %dma_wait3A_122 = tpu.memref_slice %arg4[%add3A_96, %dma_wait3A_121] : memref<819200x32xf32, #tpu.memory_space<hbm>> -> memref<1280x32xf32, #tpu.memory_space<hbm>>
    tpu.wait_dma2 semaphore(%arg11 : memref<!tpu.dma_semaphore, #tpu.memory_space<semaphore_mem>>) src(%arg8 : memref<1280x32xf32, #tpu.memory_space<vmem>>) dst(%dma_wait3A_122 : memref<1280x32xf32, #tpu.memory_space<hbm>>)
    %dma_start3A_123 = arith.constant 0 : i32
    %dma_start3A_124 = arith.constant 0 : i32
    %dma_start3A_125 = tpu.memref_slice %arg3[%dma_start3A_123, %dma_start3A_124] : memref<1000000x32xf32, #tpu.memory_space<hbm>> -> memref<1000000x32xf32, #tpu.memory_space<hbm>>
    tpu.enqueue_indirect_dma source(%dma_start3A_125 : memref<1000000x32xf32, #tpu.memory_space<hbm>>) target(%arg8 : memref<1280x32xf32, #tpu.memory_space<vmem>>) offsets(%arg6 : memref<1280xi32, #tpu.memory_space<vmem>>) semaphore(%arg9 : memref<!tpu.dma_semaphore, #tpu.memory_space<semaphore_mem>>)
    %add3A_126 = arith.constant 10240 : i32
    %add3A_127 = arith.addi %mul3A_2, %add3A_126 : i32
    "tpu.region"() ({
      %run_scoped3A = tpu.sem_alloc : memref<!tpu.dma_semaphore, #tpu.memory_space<semaphore_mem>>
      %dma_start3A_359 = tpu.memref_slice %arg2[%add3A_127] : memref<819200xi32, #tpu.memory_space<hbm>> -> memref<1280xi32, #tpu.memory_space<hbm>>
      %dma_start3A_360 = tpu.memref_slice %arg2[%add3A_127] : memref<819200xi32, #tpu.memory_space<hbm>> -> memref<1280xi32, #tpu.memory_space<hbm>>
      tpu.enqueue_dma source(%dma_start3A_360 : memref<1280xi32, #tpu.memory_space<hbm>>) target(%arg5 : memref<1280xi32, #tpu.memory_space<vmem>>) target_semaphore(%run_scoped3A : memref<!tpu.dma_semaphore, #tpu.memory_space<semaphore_mem>>)
      %dma_wait3A_361 = tpu.memref_slice %arg2[%add3A_127] : memref<819200xi32, #tpu.memory_space<hbm>> -> memref<1280xi32, #tpu.memory_space<hbm>>
      %dma_wait3A_362 = tpu.memref_slice %arg2[%add3A_127] : memref<819200xi32, #tpu.memory_space<hbm>> -> memref<1280xi32, #tpu.memory_space<hbm>>
      tpu.wait_dma2 semaphore(%run_scoped3A : memref<!tpu.dma_semaphore, #tpu.memory_space<semaphore_mem>>) src(%dma_wait3A_362 : memref<1280xi32, #tpu.memory_space<hbm>>) dst(%arg5 : memref<1280xi32, #tpu.memory_space<vmem>>)
      tpu.yield
    }) : () -> ()
    %dma_wait3A_128 = arith.constant 0 : i32
    %dma_wait3A_129 = arith.constant 0 : i32
    %dma_wait3A_130 = tpu.memref_slice %arg3[%dma_wait3A_128, %dma_wait3A_129] : memref<1000000x32xf32, #tpu.memory_space<hbm>> -> memref<1000000x32xf32, #tpu.memory_space<hbm>>
    tpu.wait_indirect_dma semaphore(%arg9 : memref<!tpu.dma_semaphore, #tpu.memory_space<semaphore_mem>>) src(%dma_wait3A_130 : memref<1000000x32xf32, #tpu.memory_space<hbm>>) dst(%arg8 : memref<1280x32xf32, #tpu.memory_space<vmem>>)
    %add3A_131 = arith.constant 8960 : i32
    %add3A_132 = arith.addi %mul3A_2, %add3A_131 : i32
    %dma_start3A_133 = arith.constant 0 : i32
    %dma_start3A_134 = tpu.memref_slice %arg4[%add3A_132, %dma_start3A_133] : memref<819200x32xf32, #tpu.memory_space<hbm>> -> memref<1280x32xf32, #tpu.memory_space<hbm>>
    %dma_start3A_135 = arith.constant 0 : i32
    %dma_start3A_136 = tpu.memref_slice %arg4[%add3A_132, %dma_start3A_135] : memref<819200x32xf32, #tpu.memory_space<hbm>> -> memref<1280x32xf32, #tpu.memory_space<hbm>>
    tpu.enqueue_dma source(%arg8 : memref<1280x32xf32, #tpu.memory_space<vmem>>) target(%dma_start3A_136 : memref<1280x32xf32, #tpu.memory_space<hbm>>) target_semaphore(%arg11 : memref<!tpu.dma_semaphore, #tpu.memory_space<semaphore_mem>>)
    %dma_wait3A_137 = arith.constant 0 : i32
    %dma_wait3A_138 = tpu.memref_slice %arg4[%add3A_114, %dma_wait3A_137] : memref<819200x32xf32, #tpu.memory_space<hbm>> -> memref<1280x32xf32, #tpu.memory_space<hbm>>
    %dma_wait3A_139 = arith.constant 0 : i32
    %dma_wait3A_140 = tpu.memref_slice %arg4[%add3A_114, %dma_wait3A_139] : memref<819200x32xf32, #tpu.memory_space<hbm>> -> memref<1280x32xf32, #tpu.memory_space<hbm>>
    tpu.wait_dma2 semaphore(%arg10 : memref<!tpu.dma_semaphore, #tpu.memory_space<semaphore_mem>>) src(%arg7 : memref<1280x32xf32, #tpu.memory_space<vmem>>) dst(%dma_wait3A_140 : memref<1280x32xf32, #tpu.memory_space<hbm>>)
    %dma_start3A_141 = arith.constant 0 : i32
    %dma_start3A_142 = arith.constant 0 : i32
    %dma_start3A_143 = tpu.memref_slice %arg3[%dma_start3A_141, %dma_start3A_142] : memref<1000000x32xf32, #tpu.memory_space<hbm>> -> memref<1000000x32xf32, #tpu.memory_space<hbm>>
    tpu.enqueue_indirect_dma source(%dma_start3A_143 : memref<1000000x32xf32, #tpu.memory_space<hbm>>) target(%arg7 : memref<1280x32xf32, #tpu.memory_space<vmem>>) offsets(%arg5 : memref<1280xi32, #tpu.memory_space<vmem>>) semaphore(%arg9 : memref<!tpu.dma_semaphore, #tpu.memory_space<semaphore_mem>>)
    %add3A_144 = arith.constant 11520 : i32
    %add3A_145 = arith.addi %mul3A_2, %add3A_144 : i32
    "tpu.region"() ({
      %run_scoped3A = tpu.sem_alloc : memref<!tpu.dma_semaphore, #tpu.memory_space<semaphore_mem>>
      %dma_start3A_359 = tpu.memref_slice %arg2[%add3A_145] : memref<819200xi32, #tpu.memory_space<hbm>> -> memref<1280xi32, #tpu.memory_space<hbm>>
      %dma_start3A_360 = tpu.memref_slice %arg2[%add3A_145] : memref<819200xi32, #tpu.memory_space<hbm>> -> memref<1280xi32, #tpu.memory_space<hbm>>
      tpu.enqueue_dma source(%dma_start3A_360 : memref<1280xi32, #tpu.memory_space<hbm>>) target(%arg6 : memref<1280xi32, #tpu.memory_space<vmem>>) target_semaphore(%run_scoped3A : memref<!tpu.dma_semaphore, #tpu.memory_space<semaphore_mem>>)
      %dma_wait3A_361 = tpu.memref_slice %arg2[%add3A_145] : memref<819200xi32, #tpu.memory_space<hbm>> -> memref<1280xi32, #tpu.memory_space<hbm>>
      %dma_wait3A_362 = tpu.memref_slice %arg2[%add3A_145] : memref<819200xi32, #tpu.memory_space<hbm>> -> memref<1280xi32, #tpu.memory_space<hbm>>
      tpu.wait_dma2 semaphore(%run_scoped3A : memref<!tpu.dma_semaphore, #tpu.memory_space<semaphore_mem>>) src(%dma_wait3A_362 : memref<1280xi32, #tpu.memory_space<hbm>>) dst(%arg6 : memref<1280xi32, #tpu.memory_space<vmem>>)
      tpu.yield
    }) : () -> ()
    %dma_wait3A_146 = arith.constant 0 : i32
    %dma_wait3A_147 = arith.constant 0 : i32
    %dma_wait3A_148 = tpu.memref_slice %arg3[%dma_wait3A_146, %dma_wait3A_147] : memref<1000000x32xf32, #tpu.memory_space<hbm>> -> memref<1000000x32xf32, #tpu.memory_space<hbm>>
    tpu.wait_indirect_dma semaphore(%arg9 : memref<!tpu.dma_semaphore, #tpu.memory_space<semaphore_mem>>) src(%dma_wait3A_148 : memref<1000000x32xf32, #tpu.memory_space<hbm>>) dst(%arg7 : memref<1280x32xf32, #tpu.memory_space<vmem>>)
    %add3A_149 = arith.constant 10240 : i32
    %add3A_150 = arith.addi %mul3A_2, %add3A_149 : i32
    %dma_start3A_151 = arith.constant 0 : i32
    %dma_start3A_152 = tpu.memref_slice %arg4[%add3A_150, %dma_start3A_151] : memref<819200x32xf32, #tpu.memory_space<hbm>> -> memref<1280x32xf32, #tpu.memory_space<hbm>>
    %dma_start3A_153 = arith.constant 0 : i32
    %dma_start3A_154 = tpu.memref_slice %arg4[%add3A_150, %dma_start3A_153] : memref<819200x32xf32, #tpu.memory_space<hbm>> -> memref<1280x32xf32, #tpu.memory_space<hbm>>
    tpu.enqueue_dma source(%arg7 : memref<1280x32xf32, #tpu.memory_space<vmem>>) target(%dma_start3A_154 : memref<1280x32xf32, #tpu.memory_space<hbm>>) target_semaphore(%arg10 : memref<!tpu.dma_semaphore, #tpu.memory_space<semaphore_mem>>)
    %dma_wait3A_155 = arith.constant 0 : i32
    %dma_wait3A_156 = tpu.memref_slice %arg4[%add3A_132, %dma_wait3A_155] : memref<819200x32xf32, #tpu.memory_space<hbm>> -> memref<1280x32xf32, #tpu.memory_space<hbm>>
    %dma_wait3A_157 = arith.constant 0 : i32
    %dma_wait3A_158 = tpu.memref_slice %arg4[%add3A_132, %dma_wait3A_157] : memref<819200x32xf32, #tpu.memory_space<hbm>> -> memref<1280x32xf32, #tpu.memory_space<hbm>>
    tpu.wait_dma2 semaphore(%arg11 : memref<!tpu.dma_semaphore, #tpu.memory_space<semaphore_mem>>) src(%arg8 : memref<1280x32xf32, #tpu.memory_space<vmem>>) dst(%dma_wait3A_158 : memref<1280x32xf32, #tpu.memory_space<hbm>>)
    %dma_start3A_159 = arith.constant 0 : i32
    %dma_start3A_160 = arith.constant 0 : i32
    %dma_start3A_161 = tpu.memref_slice %arg3[%dma_start3A_159, %dma_start3A_160] : memref<1000000x32xf32, #tpu.memory_space<hbm>> -> memref<1000000x32xf32, #tpu.memory_space<hbm>>
    tpu.enqueue_indirect_dma source(%dma_start3A_161 : memref<1000000x32xf32, #tpu.memory_space<hbm>>) target(%arg8 : memref<1280x32xf32, #tpu.memory_space<vmem>>) offsets(%arg6 : memref<1280xi32, #tpu.memory_space<vmem>>) semaphore(%arg9 : memref<!tpu.dma_semaphore, #tpu.memory_space<semaphore_mem>>)
    %add3A_162 = arith.constant 12800 : i32
    %add3A_163 = arith.addi %mul3A_2, %add3A_162 : i32
    "tpu.region"() ({
      %run_scoped3A = tpu.sem_alloc : memref<!tpu.dma_semaphore, #tpu.memory_space<semaphore_mem>>
      %dma_start3A_359 = tpu.memref_slice %arg2[%add3A_163] : memref<819200xi32, #tpu.memory_space<hbm>> -> memref<1280xi32, #tpu.memory_space<hbm>>
      %dma_start3A_360 = tpu.memref_slice %arg2[%add3A_163] : memref<819200xi32, #tpu.memory_space<hbm>> -> memref<1280xi32, #tpu.memory_space<hbm>>
      tpu.enqueue_dma source(%dma_start3A_360 : memref<1280xi32, #tpu.memory_space<hbm>>) target(%arg5 : memref<1280xi32, #tpu.memory_space<vmem>>) target_semaphore(%run_scoped3A : memref<!tpu.dma_semaphore, #tpu.memory_space<semaphore_mem>>)
      %dma_wait3A_361 = tpu.memref_slice %arg2[%add3A_163] : memref<819200xi32, #tpu.memory_space<hbm>> -> memref<1280xi32, #tpu.memory_space<hbm>>
      %dma_wait3A_362 = tpu.memref_slice %arg2[%add3A_163] : memref<819200xi32, #tpu.memory_space<hbm>> -> memref<1280xi32, #tpu.memory_space<hbm>>
      tpu.wait_dma2 semaphore(%run_scoped3A : memref<!tpu.dma_semaphore, #tpu.memory_space<semaphore_mem>>) src(%dma_wait3A_362 : memref<1280xi32, #tpu.memory_space<hbm>>) dst(%arg5 : memref<1280xi32, #tpu.memory_space<vmem>>)
      tpu.yield
    }) : () -> ()
    %dma_wait3A_164 = arith.constant 0 : i32
    %dma_wait3A_165 = arith.constant 0 : i32
    %dma_wait3A_166 = tpu.memref_slice %arg3[%dma_wait3A_164, %dma_wait3A_165] : memref<1000000x32xf32, #tpu.memory_space<hbm>> -> memref<1000000x32xf32, #tpu.memory_space<hbm>>
    tpu.wait_indirect_dma semaphore(%arg9 : memref<!tpu.dma_semaphore, #tpu.memory_space<semaphore_mem>>) src(%dma_wait3A_166 : memref<1000000x32xf32, #tpu.memory_space<hbm>>) dst(%arg8 : memref<1280x32xf32, #tpu.memory_space<vmem>>)
    %add3A_167 = arith.constant 11520 : i32
    %add3A_168 = arith.addi %mul3A_2, %add3A_167 : i32
    %dma_start3A_169 = arith.constant 0 : i32
    %dma_start3A_170 = tpu.memref_slice %arg4[%add3A_168, %dma_start3A_169] : memref<819200x32xf32, #tpu.memory_space<hbm>> -> memref<1280x32xf32, #tpu.memory_space<hbm>>
    %dma_start3A_171 = arith.constant 0 : i32
    %dma_start3A_172 = tpu.memref_slice %arg4[%add3A_168, %dma_start3A_171] : memref<819200x32xf32, #tpu.memory_space<hbm>> -> memref<1280x32xf32, #tpu.memory_space<hbm>>
    tpu.enqueue_dma source(%arg8 : memref<1280x32xf32, #tpu.memory_space<vmem>>) target(%dma_start3A_172 : memref<1280x32xf32, #tpu.memory_space<hbm>>) target_semaphore(%arg11 : memref<!tpu.dma_semaphore, #tpu.memory_space<semaphore_mem>>)
    %dma_wait3A_173 = arith.constant 0 : i32
    %dma_wait3A_174 = tpu.memref_slice %arg4[%add3A_150, %dma_wait3A_173] : memref<819200x32xf32, #tpu.memory_space<hbm>> -> memref<1280x32xf32, #tpu.memory_space<hbm>>
    %dma_wait3A_175 = arith.constant 0 : i32
    %dma_wait3A_176 = tpu.memref_slice %arg4[%add3A_150, %dma_wait3A_175] : memref<819200x32xf32, #tpu.memory_space<hbm>> -> memref<1280x32xf32, #tpu.memory_space<hbm>>
    tpu.wait_dma2 semaphore(%arg10 : memref<!tpu.dma_semaphore, #tpu.memory_space<semaphore_mem>>) src(%arg7 : memref<1280x32xf32, #tpu.memory_space<vmem>>) dst(%dma_wait3A_176 : memref<1280x32xf32, #tpu.memory_space<hbm>>)
    %dma_start3A_177 = arith.constant 0 : i32
    %dma_start3A_178 = arith.constant 0 : i32
    %dma_start3A_179 = tpu.memref_slice %arg3[%dma_start3A_177, %dma_start3A_178] : memref<1000000x32xf32, #tpu.memory_space<hbm>> -> memref<1000000x32xf32, #tpu.memory_space<hbm>>
    tpu.enqueue_indirect_dma source(%dma_start3A_179 : memref<1000000x32xf32, #tpu.memory_space<hbm>>) target(%arg7 : memref<1280x32xf32, #tpu.memory_space<vmem>>) offsets(%arg5 : memref<1280xi32, #tpu.memory_space<vmem>>) semaphore(%arg9 : memref<!tpu.dma_semaphore, #tpu.memory_space<semaphore_mem>>)
    %add3A_180 = arith.constant 14080 : i32
    %add3A_181 = arith.addi %mul3A_2, %add3A_180 : i32
    "tpu.region"() ({
      %run_scoped3A = tpu.sem_alloc : memref<!tpu.dma_semaphore, #tpu.memory_space<semaphore_mem>>
      %dma_start3A_359 = tpu.memref_slice %arg2[%add3A_181] : memref<819200xi32, #tpu.memory_space<hbm>> -> memref<1280xi32, #tpu.memory_space<hbm>>
      %dma_start3A_360 = tpu.memref_slice %arg2[%add3A_181] : memref<819200xi32, #tpu.memory_space<hbm>> -> memref<1280xi32, #tpu.memory_space<hbm>>
      tpu.enqueue_dma source(%dma_start3A_360 : memref<1280xi32, #tpu.memory_space<hbm>>) target(%arg6 : memref<1280xi32, #tpu.memory_space<vmem>>) target_semaphore(%run_scoped3A : memref<!tpu.dma_semaphore, #tpu.memory_space<semaphore_mem>>)
      %dma_wait3A_361 = tpu.memref_slice %arg2[%add3A_181] : memref<819200xi32, #tpu.memory_space<hbm>> -> memref<1280xi32, #tpu.memory_space<hbm>>
      %dma_wait3A_362 = tpu.memref_slice %arg2[%add3A_181] : memref<819200xi32, #tpu.memory_space<hbm>> -> memref<1280xi32, #tpu.memory_space<hbm>>
      tpu.wait_dma2 semaphore(%run_scoped3A : memref<!tpu.dma_semaphore, #tpu.memory_space<semaphore_mem>>) src(%dma_wait3A_362 : memref<1280xi32, #tpu.memory_space<hbm>>) dst(%arg6 : memref<1280xi32, #tpu.memory_space<vmem>>)
      tpu.yield
    }) : () -> ()
    %dma_wait3A_182 = arith.constant 0 : i32
    %dma_wait3A_183 = arith.constant 0 : i32
    %dma_wait3A_184 = tpu.memref_slice %arg3[%dma_wait3A_182, %dma_wait3A_183] : memref<1000000x32xf32, #tpu.memory_space<hbm>> -> memref<1000000x32xf32, #tpu.memory_space<hbm>>
    tpu.wait_indirect_dma semaphore(%arg9 : memref<!tpu.dma_semaphore, #tpu.memory_space<semaphore_mem>>) src(%dma_wait3A_184 : memref<1000000x32xf32, #tpu.memory_space<hbm>>) dst(%arg7 : memref<1280x32xf32, #tpu.memory_space<vmem>>)
    %add3A_185 = arith.constant 12800 : i32
    %add3A_186 = arith.addi %mul3A_2, %add3A_185 : i32
    %dma_start3A_187 = arith.constant 0 : i32
    %dma_start3A_188 = tpu.memref_slice %arg4[%add3A_186, %dma_start3A_187] : memref<819200x32xf32, #tpu.memory_space<hbm>> -> memref<1280x32xf32, #tpu.memory_space<hbm>>
    %dma_start3A_189 = arith.constant 0 : i32
    %dma_start3A_190 = tpu.memref_slice %arg4[%add3A_186, %dma_start3A_189] : memref<819200x32xf32, #tpu.memory_space<hbm>> -> memref<1280x32xf32, #tpu.memory_space<hbm>>
    tpu.enqueue_dma source(%arg7 : memref<1280x32xf32, #tpu.memory_space<vmem>>) target(%dma_start3A_190 : memref<1280x32xf32, #tpu.memory_space<hbm>>) target_semaphore(%arg10 : memref<!tpu.dma_semaphore, #tpu.memory_space<semaphore_mem>>)
    %dma_wait3A_191 = arith.constant 0 : i32
    %dma_wait3A_192 = tpu.memref_slice %arg4[%add3A_168, %dma_wait3A_191] : memref<819200x32xf32, #tpu.memory_space<hbm>> -> memref<1280x32xf32, #tpu.memory_space<hbm>>
    %dma_wait3A_193 = arith.constant 0 : i32
    %dma_wait3A_194 = tpu.memref_slice %arg4[%add3A_168, %dma_wait3A_193] : memref<819200x32xf32, #tpu.memory_space<hbm>> -> memref<1280x32xf32, #tpu.memory_space<hbm>>
    tpu.wait_dma2 semaphore(%arg11 : memref<!tpu.dma_semaphore, #tpu.memory_space<semaphore_mem>>) src(%arg8 : memref<1280x32xf32, #tpu.memory_space<vmem>>) dst(%dma_wait3A_194 : memref<1280x32xf32, #tpu.memory_space<hbm>>)
    %dma_start3A_195 = arith.constant 0 : i32
    %dma_start3A_196 = arith.constant 0 : i32
    %dma_start3A_197 = tpu.memref_slice %arg3[%dma_start3A_195, %dma_start3A_196] : memref<1000000x32xf32, #tpu.memory_space<hbm>> -> memref<1000000x32xf32, #tpu.memory_space<hbm>>
    tpu.enqueue_indirect_dma source(%dma_start3A_197 : memref<1000000x32xf32, #tpu.memory_space<hbm>>) target(%arg8 : memref<1280x32xf32, #tpu.memory_space<vmem>>) offsets(%arg6 : memref<1280xi32, #tpu.memory_space<vmem>>) semaphore(%arg9 : memref<!tpu.dma_semaphore, #tpu.memory_space<semaphore_mem>>)
    %add3A_198 = arith.constant 15360 : i32
    %add3A_199 = arith.addi %mul3A_2, %add3A_198 : i32
    "tpu.region"() ({
      %run_scoped3A = tpu.sem_alloc : memref<!tpu.dma_semaphore, #tpu.memory_space<semaphore_mem>>
      %dma_start3A_359 = tpu.memref_slice %arg2[%add3A_199] : memref<819200xi32, #tpu.memory_space<hbm>> -> memref<1280xi32, #tpu.memory_space<hbm>>
      %dma_start3A_360 = tpu.memref_slice %arg2[%add3A_199] : memref<819200xi32, #tpu.memory_space<hbm>> -> memref<1280xi32, #tpu.memory_space<hbm>>
      tpu.enqueue_dma source(%dma_start3A_360 : memref<1280xi32, #tpu.memory_space<hbm>>) target(%arg5 : memref<1280xi32, #tpu.memory_space<vmem>>) target_semaphore(%run_scoped3A : memref<!tpu.dma_semaphore, #tpu.memory_space<semaphore_mem>>)
      %dma_wait3A_361 = tpu.memref_slice %arg2[%add3A_199] : memref<819200xi32, #tpu.memory_space<hbm>> -> memref<1280xi32, #tpu.memory_space<hbm>>
      %dma_wait3A_362 = tpu.memref_slice %arg2[%add3A_199] : memref<819200xi32, #tpu.memory_space<hbm>> -> memref<1280xi32, #tpu.memory_space<hbm>>
      tpu.wait_dma2 semaphore(%run_scoped3A : memref<!tpu.dma_semaphore, #tpu.memory_space<semaphore_mem>>) src(%dma_wait3A_362 : memref<1280xi32, #tpu.memory_space<hbm>>) dst(%arg5 : memref<1280xi32, #tpu.memory_space<vmem>>)
      tpu.yield
    }) : () -> ()
    %dma_wait3A_200 = arith.constant 0 : i32
    %dma_wait3A_201 = arith.constant 0 : i32
    %dma_wait3A_202 = tpu.memref_slice %arg3[%dma_wait3A_200, %dma_wait3A_201] : memref<1000000x32xf32, #tpu.memory_space<hbm>> -> memref<1000000x32xf32, #tpu.memory_space<hbm>>
    tpu.wait_indirect_dma semaphore(%arg9 : memref<!tpu.dma_semaphore, #tpu.memory_space<semaphore_mem>>) src(%dma_wait3A_202 : memref<1000000x32xf32, #tpu.memory_space<hbm>>) dst(%arg8 : memref<1280x32xf32, #tpu.memory_space<vmem>>)
    %add3A_203 = arith.constant 14080 : i32
    %add3A_204 = arith.addi %mul3A_2, %add3A_203 : i32
    %dma_start3A_205 = arith.constant 0 : i32
    %dma_start3A_206 = tpu.memref_slice %arg4[%add3A_204, %dma_start3A_205] : memref<819200x32xf32, #tpu.memory_space<hbm>> -> memref<1280x32xf32, #tpu.memory_space<hbm>>
    %dma_start3A_207 = arith.constant 0 : i32
    %dma_start3A_208 = tpu.memref_slice %arg4[%add3A_204, %dma_start3A_207] : memref<819200x32xf32, #tpu.memory_space<hbm>> -> memref<1280x32xf32, #tpu.memory_space<hbm>>
    tpu.enqueue_dma source(%arg8 : memref<1280x32xf32, #tpu.memory_space<vmem>>) target(%dma_start3A_208 : memref<1280x32xf32, #tpu.memory_space<hbm>>) target_semaphore(%arg11 : memref<!tpu.dma_semaphore, #tpu.memory_space<semaphore_mem>>)
    %dma_wait3A_209 = arith.constant 0 : i32
    %dma_wait3A_210 = tpu.memref_slice %arg4[%add3A_186, %dma_wait3A_209] : memref<819200x32xf32, #tpu.memory_space<hbm>> -> memref<1280x32xf32, #tpu.memory_space<hbm>>
    %dma_wait3A_211 = arith.constant 0 : i32
    %dma_wait3A_212 = tpu.memref_slice %arg4[%add3A_186, %dma_wait3A_211] : memref<819200x32xf32, #tpu.memory_space<hbm>> -> memref<1280x32xf32, #tpu.memory_space<hbm>>
    tpu.wait_dma2 semaphore(%arg10 : memref<!tpu.dma_semaphore, #tpu.memory_space<semaphore_mem>>) src(%arg7 : memref<1280x32xf32, #tpu.memory_space<vmem>>) dst(%dma_wait3A_212 : memref<1280x32xf32, #tpu.memory_space<hbm>>)
    %dma_start3A_213 = arith.constant 0 : i32
    %dma_start3A_214 = arith.constant 0 : i32
    %dma_start3A_215 = tpu.memref_slice %arg3[%dma_start3A_213, %dma_start3A_214] : memref<1000000x32xf32, #tpu.memory_space<hbm>> -> memref<1000000x32xf32, #tpu.memory_space<hbm>>
    tpu.enqueue_indirect_dma source(%dma_start3A_215 : memref<1000000x32xf32, #tpu.memory_space<hbm>>) target(%arg7 : memref<1280x32xf32, #tpu.memory_space<vmem>>) offsets(%arg5 : memref<1280xi32, #tpu.memory_space<vmem>>) semaphore(%arg9 : memref<!tpu.dma_semaphore, #tpu.memory_space<semaphore_mem>>)
    %add3A_216 = arith.constant 16640 : i32
    %add3A_217 = arith.addi %mul3A_2, %add3A_216 : i32
    "tpu.region"() ({
      %run_scoped3A = tpu.sem_alloc : memref<!tpu.dma_semaphore, #tpu.memory_space<semaphore_mem>>
      %dma_start3A_359 = tpu.memref_slice %arg2[%add3A_217] : memref<819200xi32, #tpu.memory_space<hbm>> -> memref<1280xi32, #tpu.memory_space<hbm>>
      %dma_start3A_360 = tpu.memref_slice %arg2[%add3A_217] : memref<819200xi32, #tpu.memory_space<hbm>> -> memref<1280xi32, #tpu.memory_space<hbm>>
      tpu.enqueue_dma source(%dma_start3A_360 : memref<1280xi32, #tpu.memory_space<hbm>>) target(%arg6 : memref<1280xi32, #tpu.memory_space<vmem>>) target_semaphore(%run_scoped3A : memref<!tpu.dma_semaphore, #tpu.memory_space<semaphore_mem>>)
      %dma_wait3A_361 = tpu.memref_slice %arg2[%add3A_217] : memref<819200xi32, #tpu.memory_space<hbm>> -> memref<1280xi32, #tpu.memory_space<hbm>>
      %dma_wait3A_362 = tpu.memref_slice %arg2[%add3A_217] : memref<819200xi32, #tpu.memory_space<hbm>> -> memref<1280xi32, #tpu.memory_space<hbm>>
      tpu.wait_dma2 semaphore(%run_scoped3A : memref<!tpu.dma_semaphore, #tpu.memory_space<semaphore_mem>>) src(%dma_wait3A_362 : memref<1280xi32, #tpu.memory_space<hbm>>) dst(%arg6 : memref<1280xi32, #tpu.memory_space<vmem>>)
      tpu.yield
    }) : () -> ()
    %dma_wait3A_218 = arith.constant 0 : i32
    %dma_wait3A_219 = arith.constant 0 : i32
    %dma_wait3A_220 = tpu.memref_slice %arg3[%dma_wait3A_218, %dma_wait3A_219] : memref<1000000x32xf32, #tpu.memory_space<hbm>> -> memref<1000000x32xf32, #tpu.memory_space<hbm>>
    tpu.wait_indirect_dma semaphore(%arg9 : memref<!tpu.dma_semaphore, #tpu.memory_space<semaphore_mem>>) src(%dma_wait3A_220 : memref<1000000x32xf32, #tpu.memory_space<hbm>>) dst(%arg7 : memref<1280x32xf32, #tpu.memory_space<vmem>>)
    %add3A_221 = arith.constant 15360 : i32
    %add3A_222 = arith.addi %mul3A_2, %add3A_221 : i32
    %dma_start3A_223 = arith.constant 0 : i32
    %dma_start3A_224 = tpu.memref_slice %arg4[%add3A_222, %dma_start3A_223] : memref<819200x32xf32, #tpu.memory_space<hbm>> -> memref<1280x32xf32, #tpu.memory_space<hbm>>
    %dma_start3A_225 = arith.constant 0 : i32
    %dma_start3A_226 = tpu.memref_slice %arg4[%add3A_222, %dma_start3A_225] : memref<819200x32xf32, #tpu.memory_space<hbm>> -> memref<1280x32xf32, #tpu.memory_space<hbm>>
    tpu.enqueue_dma source(%arg7 : memref<1280x32xf32, #tpu.memory_space<vmem>>) target(%dma_start3A_226 : memref<1280x32xf32, #tpu.memory_space<hbm>>) target_semaphore(%arg10 : memref<!tpu.dma_semaphore, #tpu.memory_space<semaphore_mem>>)
    %dma_wait3A_227 = arith.constant 0 : i32
    %dma_wait3A_228 = tpu.memref_slice %arg4[%add3A_204, %dma_wait3A_227] : memref<819200x32xf32, #tpu.memory_space<hbm>> -> memref<1280x32xf32, #tpu.memory_space<hbm>>
    %dma_wait3A_229 = arith.constant 0 : i32
    %dma_wait3A_230 = tpu.memref_slice %arg4[%add3A_204, %dma_wait3A_229] : memref<819200x32xf32, #tpu.memory_space<hbm>> -> memref<1280x32xf32, #tpu.memory_space<hbm>>
    tpu.wait_dma2 semaphore(%arg11 : memref<!tpu.dma_semaphore, #tpu.memory_space<semaphore_mem>>) src(%arg8 : memref<1280x32xf32, #tpu.memory_space<vmem>>) dst(%dma_wait3A_230 : memref<1280x32xf32, #tpu.memory_space<hbm>>)
    %dma_start3A_231 = arith.constant 0 : i32
    %dma_start3A_232 = arith.constant 0 : i32
    %dma_start3A_233 = tpu.memref_slice %arg3[%dma_start3A_231, %dma_start3A_232] : memref<1000000x32xf32, #tpu.memory_space<hbm>> -> memref<1000000x32xf32, #tpu.memory_space<hbm>>
    tpu.enqueue_indirect_dma source(%dma_start3A_233 : memref<1000000x32xf32, #tpu.memory_space<hbm>>) target(%arg8 : memref<1280x32xf32, #tpu.memory_space<vmem>>) offsets(%arg6 : memref<1280xi32, #tpu.memory_space<vmem>>) semaphore(%arg9 : memref<!tpu.dma_semaphore, #tpu.memory_space<semaphore_mem>>)
    %add3A_234 = arith.constant 17920 : i32
    %add3A_235 = arith.addi %mul3A_2, %add3A_234 : i32
    "tpu.region"() ({
      %run_scoped3A = tpu.sem_alloc : memref<!tpu.dma_semaphore, #tpu.memory_space<semaphore_mem>>
      %dma_start3A_359 = tpu.memref_slice %arg2[%add3A_235] : memref<819200xi32, #tpu.memory_space<hbm>> -> memref<1280xi32, #tpu.memory_space<hbm>>
      %dma_start3A_360 = tpu.memref_slice %arg2[%add3A_235] : memref<819200xi32, #tpu.memory_space<hbm>> -> memref<1280xi32, #tpu.memory_space<hbm>>
      tpu.enqueue_dma source(%dma_start3A_360 : memref<1280xi32, #tpu.memory_space<hbm>>) target(%arg5 : memref<1280xi32, #tpu.memory_space<vmem>>) target_semaphore(%run_scoped3A : memref<!tpu.dma_semaphore, #tpu.memory_space<semaphore_mem>>)
      %dma_wait3A_361 = tpu.memref_slice %arg2[%add3A_235] : memref<819200xi32, #tpu.memory_space<hbm>> -> memref<1280xi32, #tpu.memory_space<hbm>>
      %dma_wait3A_362 = tpu.memref_slice %arg2[%add3A_235] : memref<819200xi32, #tpu.memory_space<hbm>> -> memref<1280xi32, #tpu.memory_space<hbm>>
      tpu.wait_dma2 semaphore(%run_scoped3A : memref<!tpu.dma_semaphore, #tpu.memory_space<semaphore_mem>>) src(%dma_wait3A_362 : memref<1280xi32, #tpu.memory_space<hbm>>) dst(%arg5 : memref<1280xi32, #tpu.memory_space<vmem>>)
      tpu.yield
    }) : () -> ()
    %dma_wait3A_236 = arith.constant 0 : i32
    %dma_wait3A_237 = arith.constant 0 : i32
    %dma_wait3A_238 = tpu.memref_slice %arg3[%dma_wait3A_236, %dma_wait3A_237] : memref<1000000x32xf32, #tpu.memory_space<hbm>> -> memref<1000000x32xf32, #tpu.memory_space<hbm>>
    tpu.wait_indirect_dma semaphore(%arg9 : memref<!tpu.dma_semaphore, #tpu.memory_space<semaphore_mem>>) src(%dma_wait3A_238 : memref<1000000x32xf32, #tpu.memory_space<hbm>>) dst(%arg8 : memref<1280x32xf32, #tpu.memory_space<vmem>>)
    %add3A_239 = arith.constant 16640 : i32
    %add3A_240 = arith.addi %mul3A_2, %add3A_239 : i32
    %dma_start3A_241 = arith.constant 0 : i32
    %dma_start3A_242 = tpu.memref_slice %arg4[%add3A_240, %dma_start3A_241] : memref<819200x32xf32, #tpu.memory_space<hbm>> -> memref<1280x32xf32, #tpu.memory_space<hbm>>
    %dma_start3A_243 = arith.constant 0 : i32
    %dma_start3A_244 = tpu.memref_slice %arg4[%add3A_240, %dma_start3A_243] : memref<819200x32xf32, #tpu.memory_space<hbm>> -> memref<1280x32xf32, #tpu.memory_space<hbm>>
    tpu.enqueue_dma source(%arg8 : memref<1280x32xf32, #tpu.memory_space<vmem>>) target(%dma_start3A_244 : memref<1280x32xf32, #tpu.memory_space<hbm>>) target_semaphore(%arg11 : memref<!tpu.dma_semaphore, #tpu.memory_space<semaphore_mem>>)
    %dma_wait3A_245 = arith.constant 0 : i32
    %dma_wait3A_246 = tpu.memref_slice %arg4[%add3A_222, %dma_wait3A_245] : memref<819200x32xf32, #tpu.memory_space<hbm>> -> memref<1280x32xf32, #tpu.memory_space<hbm>>
    %dma_wait3A_247 = arith.constant 0 : i32
    %dma_wait3A_248 = tpu.memref_slice %arg4[%add3A_222, %dma_wait3A_247] : memref<819200x32xf32, #tpu.memory_space<hbm>> -> memref<1280x32xf32, #tpu.memory_space<hbm>>
    tpu.wait_dma2 semaphore(%arg10 : memref<!tpu.dma_semaphore, #tpu.memory_space<semaphore_mem>>) src(%arg7 : memref<1280x32xf32, #tpu.memory_space<vmem>>) dst(%dma_wait3A_248 : memref<1280x32xf32, #tpu.memory_space<hbm>>)
    %dma_start3A_249 = arith.constant 0 : i32
    %dma_start3A_250 = arith.constant 0 : i32
    %dma_start3A_251 = tpu.memref_slice %arg3[%dma_start3A_249, %dma_start3A_250] : memref<1000000x32xf32, #tpu.memory_space<hbm>> -> memref<1000000x32xf32, #tpu.memory_space<hbm>>
    tpu.enqueue_indirect_dma source(%dma_start3A_251 : memref<1000000x32xf32, #tpu.memory_space<hbm>>) target(%arg7 : memref<1280x32xf32, #tpu.memory_space<vmem>>) offsets(%arg5 : memref<1280xi32, #tpu.memory_space<vmem>>) semaphore(%arg9 : memref<!tpu.dma_semaphore, #tpu.memory_space<semaphore_mem>>)
    %add3A_252 = arith.constant 19200 : i32
    %add3A_253 = arith.addi %mul3A_2, %add3A_252 : i32
    "tpu.region"() ({
      %run_scoped3A = tpu.sem_alloc : memref<!tpu.dma_semaphore, #tpu.memory_space<semaphore_mem>>
      %dma_start3A_359 = tpu.memref_slice %arg2[%add3A_253] : memref<819200xi32, #tpu.memory_space<hbm>> -> memref<1280xi32, #tpu.memory_space<hbm>>
      %dma_start3A_360 = tpu.memref_slice %arg2[%add3A_253] : memref<819200xi32, #tpu.memory_space<hbm>> -> memref<1280xi32, #tpu.memory_space<hbm>>
      tpu.enqueue_dma source(%dma_start3A_360 : memref<1280xi32, #tpu.memory_space<hbm>>) target(%arg6 : memref<1280xi32, #tpu.memory_space<vmem>>) target_semaphore(%run_scoped3A : memref<!tpu.dma_semaphore, #tpu.memory_space<semaphore_mem>>)
      %dma_wait3A_361 = tpu.memref_slice %arg2[%add3A_253] : memref<819200xi32, #tpu.memory_space<hbm>> -> memref<1280xi32, #tpu.memory_space<hbm>>
      %dma_wait3A_362 = tpu.memref_slice %arg2[%add3A_253] : memref<819200xi32, #tpu.memory_space<hbm>> -> memref<1280xi32, #tpu.memory_space<hbm>>
      tpu.wait_dma2 semaphore(%run_scoped3A : memref<!tpu.dma_semaphore, #tpu.memory_space<semaphore_mem>>) src(%dma_wait3A_362 : memref<1280xi32, #tpu.memory_space<hbm>>) dst(%arg6 : memref<1280xi32, #tpu.memory_space<vmem>>)
      tpu.yield
    }) : () -> ()
    %dma_wait3A_254 = arith.constant 0 : i32
    %dma_wait3A_255 = arith.constant 0 : i32
    %dma_wait3A_256 = tpu.memref_slice %arg3[%dma_wait3A_254, %dma_wait3A_255] : memref<1000000x32xf32, #tpu.memory_space<hbm>> -> memref<1000000x32xf32, #tpu.memory_space<hbm>>
    tpu.wait_indirect_dma semaphore(%arg9 : memref<!tpu.dma_semaphore, #tpu.memory_space<semaphore_mem>>) src(%dma_wait3A_256 : memref<1000000x32xf32, #tpu.memory_space<hbm>>) dst(%arg7 : memref<1280x32xf32, #tpu.memory_space<vmem>>)
    %add3A_257 = arith.constant 17920 : i32
    %add3A_258 = arith.addi %mul3A_2, %add3A_257 : i32
    %dma_start3A_259 = arith.constant 0 : i32
    %dma_start3A_260 = tpu.memref_slice %arg4[%add3A_258, %dma_start3A_259] : memref<819200x32xf32, #tpu.memory_space<hbm>> -> memref<1280x32xf32, #tpu.memory_space<hbm>>
    %dma_start3A_261 = arith.constant 0 : i32
    %dma_start3A_262 = tpu.memref_slice %arg4[%add3A_258, %dma_start3A_261] : memref<819200x32xf32, #tpu.memory_space<hbm>> -> memref<1280x32xf32, #tpu.memory_space<hbm>>
    tpu.enqueue_dma source(%arg7 : memref<1280x32xf32, #tpu.memory_space<vmem>>) target(%dma_start3A_262 : memref<1280x32xf32, #tpu.memory_space<hbm>>) target_semaphore(%arg10 : memref<!tpu.dma_semaphore, #tpu.memory_space<semaphore_mem>>)
    %dma_wait3A_263 = arith.constant 0 : i32
    %dma_wait3A_264 = tpu.memref_slice %arg4[%add3A_240, %dma_wait3A_263] : memref<819200x32xf32, #tpu.memory_space<hbm>> -> memref<1280x32xf32, #tpu.memory_space<hbm>>
    %dma_wait3A_265 = arith.constant 0 : i32
    %dma_wait3A_266 = tpu.memref_slice %arg4[%add3A_240, %dma_wait3A_265] : memref<819200x32xf32, #tpu.memory_space<hbm>> -> memref<1280x32xf32, #tpu.memory_space<hbm>>
    tpu.wait_dma2 semaphore(%arg11 : memref<!tpu.dma_semaphore, #tpu.memory_space<semaphore_mem>>) src(%arg8 : memref<1280x32xf32, #tpu.memory_space<vmem>>) dst(%dma_wait3A_266 : memref<1280x32xf32, #tpu.memory_space<hbm>>)
    %dma_start3A_267 = arith.constant 0 : i32
    %dma_start3A_268 = arith.constant 0 : i32
    %dma_start3A_269 = tpu.memref_slice %arg3[%dma_start3A_267, %dma_start3A_268] : memref<1000000x32xf32, #tpu.memory_space<hbm>> -> memref<1000000x32xf32, #tpu.memory_space<hbm>>
    tpu.enqueue_indirect_dma source(%dma_start3A_269 : memref<1000000x32xf32, #tpu.memory_space<hbm>>) target(%arg8 : memref<1280x32xf32, #tpu.memory_space<vmem>>) offsets(%arg6 : memref<1280xi32, #tpu.memory_space<vmem>>) semaphore(%arg9 : memref<!tpu.dma_semaphore, #tpu.memory_space<semaphore_mem>>)
    %add3A_270 = arith.constant 20480 : i32
    %add3A_271 = arith.addi %mul3A_2, %add3A_270 : i32
    "tpu.region"() ({
      %run_scoped3A = tpu.sem_alloc : memref<!tpu.dma_semaphore, #tpu.memory_space<semaphore_mem>>
      %dma_start3A_359 = tpu.memref_slice %arg2[%add3A_271] : memref<819200xi32, #tpu.memory_space<hbm>> -> memref<1280xi32, #tpu.memory_space<hbm>>
      %dma_start3A_360 = tpu.memref_slice %arg2[%add3A_271] : memref<819200xi32, #tpu.memory_space<hbm>> -> memref<1280xi32, #tpu.memory_space<hbm>>
      tpu.enqueue_dma source(%dma_start3A_360 : memref<1280xi32, #tpu.memory_space<hbm>>) target(%arg5 : memref<1280xi32, #tpu.memory_space<vmem>>) target_semaphore(%run_scoped3A : memref<!tpu.dma_semaphore, #tpu.memory_space<semaphore_mem>>)
      %dma_wait3A_361 = tpu.memref_slice %arg2[%add3A_271] : memref<819200xi32, #tpu.memory_space<hbm>> -> memref<1280xi32, #tpu.memory_space<hbm>>
      %dma_wait3A_362 = tpu.memref_slice %arg2[%add3A_271] : memref<819200xi32, #tpu.memory_space<hbm>> -> memref<1280xi32, #tpu.memory_space<hbm>>
      tpu.wait_dma2 semaphore(%run_scoped3A : memref<!tpu.dma_semaphore, #tpu.memory_space<semaphore_mem>>) src(%dma_wait3A_362 : memref<1280xi32, #tpu.memory_space<hbm>>) dst(%arg5 : memref<1280xi32, #tpu.memory_space<vmem>>)
      tpu.yield
    }) : () -> ()
    %dma_wait3A_272 = arith.constant 0 : i32
    %dma_wait3A_273 = arith.constant 0 : i32
    %dma_wait3A_274 = tpu.memref_slice %arg3[%dma_wait3A_272, %dma_wait3A_273] : memref<1000000x32xf32, #tpu.memory_space<hbm>> -> memref<1000000x32xf32, #tpu.memory_space<hbm>>
    tpu.wait_indirect_dma semaphore(%arg9 : memref<!tpu.dma_semaphore, #tpu.memory_space<semaphore_mem>>) src(%dma_wait3A_274 : memref<1000000x32xf32, #tpu.memory_space<hbm>>) dst(%arg8 : memref<1280x32xf32, #tpu.memory_space<vmem>>)
    %add3A_275 = arith.constant 19200 : i32
    %add3A_276 = arith.addi %mul3A_2, %add3A_275 : i32
    %dma_start3A_277 = arith.constant 0 : i32
    %dma_start3A_278 = tpu.memref_slice %arg4[%add3A_276, %dma_start3A_277] : memref<819200x32xf32, #tpu.memory_space<hbm>> -> memref<1280x32xf32, #tpu.memory_space<hbm>>
    %dma_start3A_279 = arith.constant 0 : i32
    %dma_start3A_280 = tpu.memref_slice %arg4[%add3A_276, %dma_start3A_279] : memref<819200x32xf32, #tpu.memory_space<hbm>> -> memref<1280x32xf32, #tpu.memory_space<hbm>>
    tpu.enqueue_dma source(%arg8 : memref<1280x32xf32, #tpu.memory_space<vmem>>) target(%dma_start3A_280 : memref<1280x32xf32, #tpu.memory_space<hbm>>) target_semaphore(%arg11 : memref<!tpu.dma_semaphore, #tpu.memory_space<semaphore_mem>>)
    %dma_wait3A_281 = arith.constant 0 : i32
    %dma_wait3A_282 = tpu.memref_slice %arg4[%add3A_258, %dma_wait3A_281] : memref<819200x32xf32, #tpu.memory_space<hbm>> -> memref<1280x32xf32, #tpu.memory_space<hbm>>
    %dma_wait3A_283 = arith.constant 0 : i32
    %dma_wait3A_284 = tpu.memref_slice %arg4[%add3A_258, %dma_wait3A_283] : memref<819200x32xf32, #tpu.memory_space<hbm>> -> memref<1280x32xf32, #tpu.memory_space<hbm>>
    tpu.wait_dma2 semaphore(%arg10 : memref<!tpu.dma_semaphore, #tpu.memory_space<semaphore_mem>>) src(%arg7 : memref<1280x32xf32, #tpu.memory_space<vmem>>) dst(%dma_wait3A_284 : memref<1280x32xf32, #tpu.memory_space<hbm>>)
    %dma_start3A_285 = arith.constant 0 : i32
    %dma_start3A_286 = arith.constant 0 : i32
    %dma_start3A_287 = tpu.memref_slice %arg3[%dma_start3A_285, %dma_start3A_286] : memref<1000000x32xf32, #tpu.memory_space<hbm>> -> memref<1000000x32xf32, #tpu.memory_space<hbm>>
    tpu.enqueue_indirect_dma source(%dma_start3A_287 : memref<1000000x32xf32, #tpu.memory_space<hbm>>) target(%arg7 : memref<1280x32xf32, #tpu.memory_space<vmem>>) offsets(%arg5 : memref<1280xi32, #tpu.memory_space<vmem>>) semaphore(%arg9 : memref<!tpu.dma_semaphore, #tpu.memory_space<semaphore_mem>>)
    %add3A_288 = arith.constant 21760 : i32
    %add3A_289 = arith.addi %mul3A_2, %add3A_288 : i32
    "tpu.region"() ({
      %run_scoped3A = tpu.sem_alloc : memref<!tpu.dma_semaphore, #tpu.memory_space<semaphore_mem>>
      %dma_start3A_359 = tpu.memref_slice %arg2[%add3A_289] : memref<819200xi32, #tpu.memory_space<hbm>> -> memref<1280xi32, #tpu.memory_space<hbm>>
      %dma_start3A_360 = tpu.memref_slice %arg2[%add3A_289] : memref<819200xi32, #tpu.memory_space<hbm>> -> memref<1280xi32, #tpu.memory_space<hbm>>
      tpu.enqueue_dma source(%dma_start3A_360 : memref<1280xi32, #tpu.memory_space<hbm>>) target(%arg6 : memref<1280xi32, #tpu.memory_space<vmem>>) target_semaphore(%run_scoped3A : memref<!tpu.dma_semaphore, #tpu.memory_space<semaphore_mem>>)
      %dma_wait3A_361 = tpu.memref_slice %arg2[%add3A_289] : memref<819200xi32, #tpu.memory_space<hbm>> -> memref<1280xi32, #tpu.memory_space<hbm>>
      %dma_wait3A_362 = tpu.memref_slice %arg2[%add3A_289] : memref<819200xi32, #tpu.memory_space<hbm>> -> memref<1280xi32, #tpu.memory_space<hbm>>
      tpu.wait_dma2 semaphore(%run_scoped3A : memref<!tpu.dma_semaphore, #tpu.memory_space<semaphore_mem>>) src(%dma_wait3A_362 : memref<1280xi32, #tpu.memory_space<hbm>>) dst(%arg6 : memref<1280xi32, #tpu.memory_space<vmem>>)
      tpu.yield
    }) : () -> ()
    %dma_wait3A_290 = arith.constant 0 : i32
    %dma_wait3A_291 = arith.constant 0 : i32
    %dma_wait3A_292 = tpu.memref_slice %arg3[%dma_wait3A_290, %dma_wait3A_291] : memref<1000000x32xf32, #tpu.memory_space<hbm>> -> memref<1000000x32xf32, #tpu.memory_space<hbm>>
    tpu.wait_indirect_dma semaphore(%arg9 : memref<!tpu.dma_semaphore, #tpu.memory_space<semaphore_mem>>) src(%dma_wait3A_292 : memref<1000000x32xf32, #tpu.memory_space<hbm>>) dst(%arg7 : memref<1280x32xf32, #tpu.memory_space<vmem>>)
    %add3A_293 = arith.constant 20480 : i32
    %add3A_294 = arith.addi %mul3A_2, %add3A_293 : i32
    %dma_start3A_295 = arith.constant 0 : i32
    %dma_start3A_296 = tpu.memref_slice %arg4[%add3A_294, %dma_start3A_295] : memref<819200x32xf32, #tpu.memory_space<hbm>> -> memref<1280x32xf32, #tpu.memory_space<hbm>>
    %dma_start3A_297 = arith.constant 0 : i32
    %dma_start3A_298 = tpu.memref_slice %arg4[%add3A_294, %dma_start3A_297] : memref<819200x32xf32, #tpu.memory_space<hbm>> -> memref<1280x32xf32, #tpu.memory_space<hbm>>
    tpu.enqueue_dma source(%arg7 : memref<1280x32xf32, #tpu.memory_space<vmem>>) target(%dma_start3A_298 : memref<1280x32xf32, #tpu.memory_space<hbm>>) target_semaphore(%arg10 : memref<!tpu.dma_semaphore, #tpu.memory_space<semaphore_mem>>)
    %dma_wait3A_299 = arith.constant 0 : i32
    %dma_wait3A_300 = tpu.memref_slice %arg4[%add3A_276, %dma_wait3A_299] : memref<819200x32xf32, #tpu.memory_space<hbm>> -> memref<1280x32xf32, #tpu.memory_space<hbm>>
    %dma_wait3A_301 = arith.constant 0 : i32
    %dma_wait3A_302 = tpu.memref_slice %arg4[%add3A_276, %dma_wait3A_301] : memref<819200x32xf32, #tpu.memory_space<hbm>> -> memref<1280x32xf32, #tpu.memory_space<hbm>>
    tpu.wait_dma2 semaphore(%arg11 : memref<!tpu.dma_semaphore, #tpu.memory_space<semaphore_mem>>) src(%arg8 : memref<1280x32xf32, #tpu.memory_space<vmem>>) dst(%dma_wait3A_302 : memref<1280x32xf32, #tpu.memory_space<hbm>>)
    %dma_start3A_303 = arith.constant 0 : i32
    %dma_start3A_304 = arith.constant 0 : i32
    %dma_start3A_305 = tpu.memref_slice %arg3[%dma_start3A_303, %dma_start3A_304] : memref<1000000x32xf32, #tpu.memory_space<hbm>> -> memref<1000000x32xf32, #tpu.memory_space<hbm>>
    tpu.enqueue_indirect_dma source(%dma_start3A_305 : memref<1000000x32xf32, #tpu.memory_space<hbm>>) target(%arg8 : memref<1280x32xf32, #tpu.memory_space<vmem>>) offsets(%arg6 : memref<1280xi32, #tpu.memory_space<vmem>>) semaphore(%arg9 : memref<!tpu.dma_semaphore, #tpu.memory_space<semaphore_mem>>)
    %add3A_306 = arith.constant 23040 : i32
    %add3A_307 = arith.addi %mul3A_2, %add3A_306 : i32
    "tpu.region"() ({
      %run_scoped3A = tpu.sem_alloc : memref<!tpu.dma_semaphore, #tpu.memory_space<semaphore_mem>>
      %dma_start3A_359 = tpu.memref_slice %arg2[%add3A_307] : memref<819200xi32, #tpu.memory_space<hbm>> -> memref<1280xi32, #tpu.memory_space<hbm>>
      %dma_start3A_360 = tpu.memref_slice %arg2[%add3A_307] : memref<819200xi32, #tpu.memory_space<hbm>> -> memref<1280xi32, #tpu.memory_space<hbm>>
      tpu.enqueue_dma source(%dma_start3A_360 : memref<1280xi32, #tpu.memory_space<hbm>>) target(%arg5 : memref<1280xi32, #tpu.memory_space<vmem>>) target_semaphore(%run_scoped3A : memref<!tpu.dma_semaphore, #tpu.memory_space<semaphore_mem>>)
      %dma_wait3A_361 = tpu.memref_slice %arg2[%add3A_307] : memref<819200xi32, #tpu.memory_space<hbm>> -> memref<1280xi32, #tpu.memory_space<hbm>>
      %dma_wait3A_362 = tpu.memref_slice %arg2[%add3A_307] : memref<819200xi32, #tpu.memory_space<hbm>> -> memref<1280xi32, #tpu.memory_space<hbm>>
      tpu.wait_dma2 semaphore(%run_scoped3A : memref<!tpu.dma_semaphore, #tpu.memory_space<semaphore_mem>>) src(%dma_wait3A_362 : memref<1280xi32, #tpu.memory_space<hbm>>) dst(%arg5 : memref<1280xi32, #tpu.memory_space<vmem>>)
      tpu.yield
    }) : () -> ()
    %dma_wait3A_308 = arith.constant 0 : i32
    %dma_wait3A_309 = arith.constant 0 : i32
    %dma_wait3A_310 = tpu.memref_slice %arg3[%dma_wait3A_308, %dma_wait3A_309] : memref<1000000x32xf32, #tpu.memory_space<hbm>> -> memref<1000000x32xf32, #tpu.memory_space<hbm>>
    tpu.wait_indirect_dma semaphore(%arg9 : memref<!tpu.dma_semaphore, #tpu.memory_space<semaphore_mem>>) src(%dma_wait3A_310 : memref<1000000x32xf32, #tpu.memory_space<hbm>>) dst(%arg8 : memref<1280x32xf32, #tpu.memory_space<vmem>>)
    %add3A_311 = arith.constant 21760 : i32
    %add3A_312 = arith.addi %mul3A_2, %add3A_311 : i32
    %dma_start3A_313 = arith.constant 0 : i32
    %dma_start3A_314 = tpu.memref_slice %arg4[%add3A_312, %dma_start3A_313] : memref<819200x32xf32, #tpu.memory_space<hbm>> -> memref<1280x32xf32, #tpu.memory_space<hbm>>
    %dma_start3A_315 = arith.constant 0 : i32
    %dma_start3A_316 = tpu.memref_slice %arg4[%add3A_312, %dma_start3A_315] : memref<819200x32xf32, #tpu.memory_space<hbm>> -> memref<1280x32xf32, #tpu.memory_space<hbm>>
    tpu.enqueue_dma source(%arg8 : memref<1280x32xf32, #tpu.memory_space<vmem>>) target(%dma_start3A_316 : memref<1280x32xf32, #tpu.memory_space<hbm>>) target_semaphore(%arg11 : memref<!tpu.dma_semaphore, #tpu.memory_space<semaphore_mem>>)
    %dma_wait3A_317 = arith.constant 0 : i32
    %dma_wait3A_318 = tpu.memref_slice %arg4[%add3A_294, %dma_wait3A_317] : memref<819200x32xf32, #tpu.memory_space<hbm>> -> memref<1280x32xf32, #tpu.memory_space<hbm>>
    %dma_wait3A_319 = arith.constant 0 : i32
    %dma_wait3A_320 = tpu.memref_slice %arg4[%add3A_294, %dma_wait3A_319] : memref<819200x32xf32, #tpu.memory_space<hbm>> -> memref<1280x32xf32, #tpu.memory_space<hbm>>
    tpu.wait_dma2 semaphore(%arg10 : memref<!tpu.dma_semaphore, #tpu.memory_space<semaphore_mem>>) src(%arg7 : memref<1280x32xf32, #tpu.memory_space<vmem>>) dst(%dma_wait3A_320 : memref<1280x32xf32, #tpu.memory_space<hbm>>)
    %dma_start3A_321 = arith.constant 0 : i32
    %dma_start3A_322 = arith.constant 0 : i32
    %dma_start3A_323 = tpu.memref_slice %arg3[%dma_start3A_321, %dma_start3A_322] : memref<1000000x32xf32, #tpu.memory_space<hbm>> -> memref<1000000x32xf32, #tpu.memory_space<hbm>>
    tpu.enqueue_indirect_dma source(%dma_start3A_323 : memref<1000000x32xf32, #tpu.memory_space<hbm>>) target(%arg7 : memref<1280x32xf32, #tpu.memory_space<vmem>>) offsets(%arg5 : memref<1280xi32, #tpu.memory_space<vmem>>) semaphore(%arg9 : memref<!tpu.dma_semaphore, #tpu.memory_space<semaphore_mem>>)
    %add3A_324 = arith.constant 24320 : i32
    %add3A_325 = arith.addi %mul3A_2, %add3A_324 : i32
    "tpu.region"() ({
      %run_scoped3A = tpu.sem_alloc : memref<!tpu.dma_semaphore, #tpu.memory_space<semaphore_mem>>
      %dma_start3A_359 = tpu.memref_slice %arg2[%add3A_325] : memref<819200xi32, #tpu.memory_space<hbm>> -> memref<1280xi32, #tpu.memory_space<hbm>>
      %dma_start3A_360 = tpu.memref_slice %arg2[%add3A_325] : memref<819200xi32, #tpu.memory_space<hbm>> -> memref<1280xi32, #tpu.memory_space<hbm>>
      tpu.enqueue_dma source(%dma_start3A_360 : memref<1280xi32, #tpu.memory_space<hbm>>) target(%arg6 : memref<1280xi32, #tpu.memory_space<vmem>>) target_semaphore(%run_scoped3A : memref<!tpu.dma_semaphore, #tpu.memory_space<semaphore_mem>>)
      %dma_wait3A_361 = tpu.memref_slice %arg2[%add3A_325] : memref<819200xi32, #tpu.memory_space<hbm>> -> memref<1280xi32, #tpu.memory_space<hbm>>
      %dma_wait3A_362 = tpu.memref_slice %arg2[%add3A_325] : memref<819200xi32, #tpu.memory_space<hbm>> -> memref<1280xi32, #tpu.memory_space<hbm>>
      tpu.wait_dma2 semaphore(%run_scoped3A : memref<!tpu.dma_semaphore, #tpu.memory_space<semaphore_mem>>) src(%dma_wait3A_362 : memref<1280xi32, #tpu.memory_space<hbm>>) dst(%arg6 : memref<1280xi32, #tpu.memory_space<vmem>>)
      tpu.yield
    }) : () -> ()
    %dma_wait3A_326 = arith.constant 0 : i32
    %dma_wait3A_327 = arith.constant 0 : i32
    %dma_wait3A_328 = tpu.memref_slice %arg3[%dma_wait3A_326, %dma_wait3A_327] : memref<1000000x32xf32, #tpu.memory_space<hbm>> -> memref<1000000x32xf32, #tpu.memory_space<hbm>>
    tpu.wait_indirect_dma semaphore(%arg9 : memref<!tpu.dma_semaphore, #tpu.memory_space<semaphore_mem>>) src(%dma_wait3A_328 : memref<1000000x32xf32, #tpu.memory_space<hbm>>) dst(%arg7 : memref<1280x32xf32, #tpu.memory_space<vmem>>)
    %add3A_329 = arith.constant 23040 : i32
    %add3A_330 = arith.addi %mul3A_2, %add3A_329 : i32
    %dma_start3A_331 = arith.constant 0 : i32
    %dma_start3A_332 = tpu.memref_slice %arg4[%add3A_330, %dma_start3A_331] : memref<819200x32xf32, #tpu.memory_space<hbm>> -> memref<1280x32xf32, #tpu.memory_space<hbm>>
    %dma_start3A_333 = arith.constant 0 : i32
    %dma_start3A_334 = tpu.memref_slice %arg4[%add3A_330, %dma_start3A_333] : memref<819200x32xf32, #tpu.memory_space<hbm>> -> memref<1280x32xf32, #tpu.memory_space<hbm>>
    tpu.enqueue_dma source(%arg7 : memref<1280x32xf32, #tpu.memory_space<vmem>>) target(%dma_start3A_334 : memref<1280x32xf32, #tpu.memory_space<hbm>>) target_semaphore(%arg10 : memref<!tpu.dma_semaphore, #tpu.memory_space<semaphore_mem>>)
    %dma_wait3A_335 = arith.constant 0 : i32
    %dma_wait3A_336 = tpu.memref_slice %arg4[%add3A_312, %dma_wait3A_335] : memref<819200x32xf32, #tpu.memory_space<hbm>> -> memref<1280x32xf32, #tpu.memory_space<hbm>>
    %dma_wait3A_337 = arith.constant 0 : i32
    %dma_wait3A_338 = tpu.memref_slice %arg4[%add3A_312, %dma_wait3A_337] : memref<819200x32xf32, #tpu.memory_space<hbm>> -> memref<1280x32xf32, #tpu.memory_space<hbm>>
    tpu.wait_dma2 semaphore(%arg11 : memref<!tpu.dma_semaphore, #tpu.memory_space<semaphore_mem>>) src(%arg8 : memref<1280x32xf32, #tpu.memory_space<vmem>>) dst(%dma_wait3A_338 : memref<1280x32xf32, #tpu.memory_space<hbm>>)
    %dma_start3A_339 = arith.constant 0 : i32
    %dma_start3A_340 = arith.constant 0 : i32
    %dma_start3A_341 = tpu.memref_slice %arg3[%dma_start3A_339, %dma_start3A_340] : memref<1000000x32xf32, #tpu.memory_space<hbm>> -> memref<1000000x32xf32, #tpu.memory_space<hbm>>
    tpu.enqueue_indirect_dma source(%dma_start3A_341 : memref<1000000x32xf32, #tpu.memory_space<hbm>>) target(%arg8 : memref<1280x32xf32, #tpu.memory_space<vmem>>) offsets(%arg6 : memref<1280xi32, #tpu.memory_space<vmem>>) semaphore(%arg9 : memref<!tpu.dma_semaphore, #tpu.memory_space<semaphore_mem>>)
    %dma_wait3A_342 = arith.constant 0 : i32
    %dma_wait3A_343 = arith.constant 0 : i32
    %dma_wait3A_344 = tpu.memref_slice %arg3[%dma_wait3A_342, %dma_wait3A_343] : memref<1000000x32xf32, #tpu.memory_space<hbm>> -> memref<1000000x32xf32, #tpu.memory_space<hbm>>
    tpu.wait_indirect_dma semaphore(%arg9 : memref<!tpu.dma_semaphore, #tpu.memory_space<semaphore_mem>>) src(%dma_wait3A_344 : memref<1000000x32xf32, #tpu.memory_space<hbm>>) dst(%arg8 : memref<1280x32xf32, #tpu.memory_space<vmem>>)
    %add3A_345 = arith.constant 24320 : i32
    %add3A_346 = arith.addi %mul3A_2, %add3A_345 : i32
    %dma_start3A_347 = arith.constant 0 : i32
    %dma_start3A_348 = tpu.memref_slice %arg4[%add3A_346, %dma_start3A_347] : memref<819200x32xf32, #tpu.memory_space<hbm>> -> memref<1280x32xf32, #tpu.memory_space<hbm>>
    %dma_start3A_349 = arith.constant 0 : i32
    %dma_start3A_350 = tpu.memref_slice %arg4[%add3A_346, %dma_start3A_349] : memref<819200x32xf32, #tpu.memory_space<hbm>> -> memref<1280x32xf32, #tpu.memory_space<hbm>>
    tpu.enqueue_dma source(%arg8 : memref<1280x32xf32, #tpu.memory_space<vmem>>) target(%dma_start3A_350 : memref<1280x32xf32, #tpu.memory_space<hbm>>) target_semaphore(%arg11 : memref<!tpu.dma_semaphore, #tpu.memory_space<semaphore_mem>>)
    %dma_wait3A_351 = arith.constant 0 : i32
    %dma_wait3A_352 = tpu.memref_slice %arg4[%add3A_330, %dma_wait3A_351] : memref<819200x32xf32, #tpu.memory_space<hbm>> -> memref<1280x32xf32, #tpu.memory_space<hbm>>
    %dma_wait3A_353 = arith.constant 0 : i32
    %dma_wait3A_354 = tpu.memref_slice %arg4[%add3A_330, %dma_wait3A_353] : memref<819200x32xf32, #tpu.memory_space<hbm>> -> memref<1280x32xf32, #tpu.memory_space<hbm>>
    tpu.wait_dma2 semaphore(%arg10 : memref<!tpu.dma_semaphore, #tpu.memory_space<semaphore_mem>>) src(%arg7 : memref<1280x32xf32, #tpu.memory_space<vmem>>) dst(%dma_wait3A_354 : memref<1280x32xf32, #tpu.memory_space<hbm>>)
    %dma_wait3A_355 = arith.constant 0 : i32
    %dma_wait3A_356 = tpu.memref_slice %arg4[%add3A_346, %dma_wait3A_355] : memref<819200x32xf32, #tpu.memory_space<hbm>> -> memref<1280x32xf32, #tpu.memory_space<hbm>>
    %dma_wait3A_357 = arith.constant 0 : i32
    %dma_wait3A_358 = tpu.memref_slice %arg4[%add3A_346, %dma_wait3A_357] : memref<819200x32xf32, #tpu.memory_space<hbm>> -> memref<1280x32xf32, #tpu.memory_space<hbm>>
    tpu.wait_dma2 semaphore(%arg11 : memref<!tpu.dma_semaphore, #tpu.memory_space<semaphore_mem>>) src(%arg8 : memref<1280x32xf32, #tpu.memory_space<vmem>>) dst(%dma_wait3A_358 : memref<1280x32xf32, #tpu.memory_space<hbm>>)
    return
  }
}

</mosaic_0001>

<sc_bundles>
// kernel: kernel.3.cloned.1.call-start
scs
__scs_entry_jumppad:
0x0: {  	(pc) =	sbr.rel $0x88, $3  }
0x1: {  	(tag) =	ssettag $0x0;
	lr =	simm.s32 $0x1  }
0x2: {  	[smem:$0x3F9F] =	sst lr;
	_ =	strace $0xD0000000  }
0x3: {  	_ = 	snop  }
0x4: {  	_ = 	snop  }
0x5: {  	_ = 	snop  }
0x6: {  	_ = 	snop  }
0x7: {  	_ = 	snop  }
__scs_overlays_trampoline_lowered:
0x8: {  	[smem:$0x3FAE] =	sst s0  }
0x9: {  	[smem:$0x3FAF] =	sst s1  }
0xa: {  	[smem:$0x3FB0] =	sst s2  }
0xb: {  	[smem:$0x3FB1] =	sst s3  }
0xc: {  	[smem:$0x3FB2] =	sst s4  }
0xd: {  	[smem:$0x3FB3] =	sst s5  }
0xe: {  	[smem:$0x3FB4] =	sst s6  }
0xf: {  	[smem:$0x3FB5] =	sst s7  }
0x10: {  	[smem:$0x3FB6] =	sst s8  }
0x11: {  	[smem:$0x3FB7] =	sst s9;
	s0 =	simm.s32 @!p0 $0x0  }
0x12: {  	s1 =	sld [smem:$0x3F9D];
	s0 =	simm.s32 @p0 $0x1  }
0x13: {  	[smem:$0x3FB8] =	sst s0;
	s0 =	simm.s32 @!p1 $0x0  }
0x14: {  	s2 =	sld [smem:$0x3F9C];
	s0 =	simm.s32 @p1 $0x1  }
0x15: {  	[smem:$0x3FB9] =	sst s0;
	s0 =	simm.s32 @!p2 $0x0  }
0x16: {  	s3 =	sld [smem:$0x3FDB];
	s0 =	simm.s32 @p2 $0x1  }
0x17: {  	s4 =	simm.s32 $0x1BF5;
	[smem:$0x3FBB] =	sst s0  }
0x18: {  	s0 =	sld [smem:$0x3F9E];
	_ =	swait.ge [sflag:s4], $0x0  }
0x19: {  	s7 =	sld [smem:$0x3F9F]  }
0x1a: {  	s8 =	sadd.s32 $0xFFFFE003, lr  }
0x1b: {  	s9 =	sadd.s32 $0xFFFFFEF7, lr;
	s5 =	simm.s32 $0xFFFFFFFF;
	p2 =	slt.u32 s8, $0xFFFFF086  }
0x1c: {  	p1 =	slt.u32 s9, $0xF7A;
	s5 =	simm.s32 @!p2 $0x0  }
0x1d: {  	s5 =	simm.s32 @p1 $0x1;
	p0 =	seq.s32 s7, s2  }
0x1e: {  	s7 =	smul.u32 @!p0 $0xF7A, s2;
	p2 =	seq.s32 @!p0 s5, $0x0  }
0x1f: {  	s9 =	smul.u32 $0xF7A, s1;
	s8 =	simm.s32 @!p0 $0x1BF5;
	p2 =	por !p2, p0  }
0x20: {  	[sflag:s8] =	ssyncset.s32 @!p0 $0xFFFFF086;
	s6 =	sadd.s32 @!p0 s3, s7;
	s7 =	simm.s32 @!p0 $0x108  }
0x21: {  	s3 =	sadd.s32 s3, s9;
	s6 =	sadd.s32 @!p0 $0x88, s6;
	s7 =	simm.s32 @p2 $0x1082  }
0x22: {  	[simem:s7], [sflag:s8] =	dma.local @!p0 [hbm:s6], $0xF7A  }
0x23: {  	s9 =	sor.u32 $0xD0000000, s2;
	s6 =	simm.s32 $0x108;
	_ =	swait.ge @!p0 [sflag:s8], $0x0  }
0x24: {  	s3 =	sadd.s32 $0x88, s3;
	s6 =	simm.s32 @!p1 $0x1082;
	[sflag:s4] =	ssyncset.s32 $0xFFFFF086  }
0x25: {  	[simem:s6], [sflag:s4] =	dma.local [hbm:s3], $0xF7A  }
0x26: {  	[smem:$0x3F9F] =	sst s1;
	(tag) =	ssettag s2;
	_ =	strace s9  }
0x27: {  	s1 =	sld [smem:$0x3FAF]  }
0x28: {  	s2 =	sld [smem:$0x3FB0]  }
0x29: {  	s4 =	sld [smem:$0x3FB2]  }
0x2a: {  	p0 =	seq.s32 s5, $0x0;
	s5 =	sld [smem:$0x3FB3]  }
0x2b: {  	s6 =	sld [smem:$0x3FB4]  }
0x2c: {  	s7 =	sld [smem:$0x3FB5]  }
0x2d: {  	s3 =	simm.s32 $0x108;
	s8 =	sld [smem:$0x3FB6]  }
0x2e: {  	s3 =	simm.s32 @!p0 $0x1082;
	s9 =	sld [smem:$0x3FB7]  }
0x2f: {  	lr =	sadd.s32 s0, s3;
	s0 =	sld [smem:$0x3FAE]  }
0x30: {  	s3 =	sld [smem:$0x3FB1]  }
0x31: {  	[smem:$0x3FBA] =	sst s10  }
0x32: {  	s10 =	sld [smem:$0x3FB8];
	_ =	sdelay $0x3  }
0x33: {  	p0 =	seq.s32 s10, $0x1;
	s10 =	sld [smem:$0x3FBA];
	_ =	sdelay $0x3  }
0x34: {  	[smem:$0x3FBA] =	sst s10  }
0x35: {  	s10 =	sld [smem:$0x3FB9];
	_ =	sdelay $0x3  }
0x36: {  	p1 =	seq.s32 s10, $0x1;
	s10 =	sld [smem:$0x3FBA];
	_ =	sdelay $0x3  }
0x37: {  	[smem:$0x3FBA] =	sst s10  }
0x38: {  	s10 =	sld [smem:$0x3FBB]  }
0x39: {  	_ = 	snop;
	(pc) =	sbr.ind lr, $3  }
0x3a: {  	_ = 	snop  }
0x3b: {  	_ = 	snop  }
0x3c: {  	p2 =	seq.s32 s10, $0x1;
	s10 =	sld [smem:$0x3FBA]  }
0x3d: {  	_ =	shalt  }
0x3e: {  	_ =	shalt  }
0x3f: {  	_ =	shalt  }
0x40: {  	_ =	shalt  }
0x41: {  	_ =	shalt  }
0x42: {  	_ =	shalt  }
0x43: {  	_ =	shalt  }
0x44: {  	_ =	shalt  }
0x45: {  	_ =	shalt  }
0x46: {  	_ =	shalt  }
0x47: {  	_ =	shalt  }
0x48: {  	_ =	shalt  }
0x49: {  	_ =	shalt  }
0x4a: {  	_ =	shalt  }
0x4b: {  	_ =	shalt  }
0x4c: {  	_ =	shalt  }
0x4d: {  	_ =	shalt  }
0x4e: {  	_ =	shalt  }
0x4f: {  	_ =	shalt  }
0x50: {  	_ =	shalt  }
0x51: {  	_ =	shalt  }
0x52: {  	_ =	shalt  }
0x53: {  	_ =	shalt  }
0x54: {  	_ =	shalt  }
0x55: {  	_ =	shalt  }
0x56: {  	_ =	shalt  }
0x57: {  	_ =	shalt  }
0x58: {  	_ =	shalt  }
0x59: {  	_ =	shalt  }
0x5a: {  	_ =	shalt  }
0x5b: {  	_ =	shalt  }
0x5c: {  	_ =	shalt  }
0x5d: {  	_ =	shalt  }
0x5e: {  	_ =	shalt  }
0x5f: {  	_ =	shalt  }
0x60: {  	_ =	shalt  }
0x61: {  	_ =	shalt  }
0x62: {  	_ =	shalt  }
0x63: {  	_ =	shalt  }
0x64: {  	_ =	shalt  }
0x65: {  	_ =	shalt  }
0x66: {  	_ =	shalt  }
0x67: {  	_ =	shalt  }
0x68: {  	_ =	shalt  }
0x69: {  	_ =	shalt  }
0x6a: {  	_ =	shalt  }
0x6b: {  	_ =	shalt  }
0x6c: {  	_ =	shalt  }
0x6d: {  	_ =	shalt  }
0x6e: {  	_ =	shalt  }
0x6f: {  	_ =	shalt  }
0x70: {  	_ =	shalt  }
0x71: {  	_ =	shalt  }
0x72: {  	_ =	shalt  }
0x73: {  	_ =	shalt  }
0x74: {  	_ =	shalt  }
0x75: {  	_ =	shalt  }
0x76: {  	_ =	shalt  }
0x77: {  	_ =	shalt  }
0x78: {  	_ =	shalt  }
0x79: {  	_ =	shalt  }
0x7a: {  	_ =	shalt  }
0x7b: {  	_ =	shalt  }
0x7c: {  	_ =	shalt  }
0x7d: {  	_ =	shalt  }
0x7e: {  	_ =	shalt  }
0x7f: {  	_ =	shalt  }
0x80: {  	_ =	shalt  }
0x81: {  	_ =	shalt  }
0x82: {  	_ =	shalt  }
0x83: {  	_ =	shalt  }
0x84: {  	_ =	shalt  }
0x85: {  	_ =	shalt  }
0x86: {  	_ =	shalt  }
0x87: {  	_ =	shalt  }
.Lfunc_end0:
.L_simem_size_0:
called_computation.1_lowered:
.L_overlay_start_0:
0x88: {  	s2 =	sld [smem:$0x3FD9]  }
0x89: {  	s3 =	sld [smem:$0x3FFE];
	_ =	sdelay $0x1  }
0x8a: {  	s1 =	srdreg.scid  }
0x8b: {  	s0 =	sand.u32 $0x1, s1  }
0x8c: {  	s17 =	sshll.u32 s0, $0xA;
	s2 =	sadd.s32 s3, s2  }
0x8d: {  	s2 =	sadd.s32 s2, s17  }
0x8e: {  	[smem:$0x3FC6] =	sst s2  }
0x8f: {  	_ = 	snop  }
0x90: {  	s2 =	sld [smem:$0x3FD0];
	(tm) =	ssettm $0x1  }
0x91: {  	s18 =	sld [smem:$0x3FFB];
	_ =	sdelay $0x3  }
0x92: {  	_ =	strace s18  }
0x93: {  	s3 =	sld [smem:$0x3FFC];
	_ =	sdelay $0x3  }
0x94: {  	_ =	strace s3  }
0x95: {  	s3 =	sld [smem:$0x3FFD];
	_ =	sdelay $0x3  }
0x96: {  	_ =	strace s3  }
0x97: {  	_ =	strace $0x8FFFFFFF  }
0x98: {  	s19 =	sld [smem:$0x3FDB];
	_ =	sdelay $0x1  }
0x99: {  	s4 =	simm.s32 $_scs_section_size  }
0x9a: {  	s5 =	simm.s32 $_size__tile_overlayer_lowered;
	s6 =	simm.s32 $_tile_overlayer_lowered  }
0x9b: {  	s22 =	simm.s32 $0x1BFF;
	s21 =	sshll.u32 s6, $0x1;
	s3 =	sadd.s32 s4, s19  }
0x9c: {  	s7 =	simm.s32 $0x0;
	s20 =	sshll.u32 s5, $0x1;
	s5 =	sadd.s32 s21, s3  }
0x9d: {  	[timem:s7], [sflag:s22] =	dma.local [hbm:s5], s20  }
0x9e: {  	_ =	swait.ge [sflag:s22], s20  }
0x9f: {  	s4 =	ssub.s32 $0x0, s20;
	[sflag:s22] =	ssyncset.done $0x0  }
0xa0: {  	[sflag:s22] =	ssyncadd.s32 s4;
	_ =	sdelay $0x1  }
0xa1: {  	s23 =	simm.s32 $0x1B8B  }
0xa2: {  	_ =	swait.ge [sflag:s23], $0x1  }
0xa3: {  	[sflag:s23] =	ssyncset.done $0x0  }
0xa4: {  	s25 =	simm.s32 $0x1B8E;
	s24 =	sld [smem:$0x3FFE];
	[sflag:s23] =	ssyncadd.s32 $0xFFFFFFFF  }
0xa5: {  	s26 =	simm.s32 $execute0_lowered;
	[smem:$0x3FD2] =	sst s25  }
0xa6: {  	s5 =	sshll.u32 s26, $0x1;
	_ =	strace $0x80000046;
	[dreg:$0x1] =	wrdreg $0xFFFFFFFF  }
0xa7: {  	s28 =	simm.s32 $_size_execute0_lowered;
	s3 =	sadd.s32 s3, s5;
	[dreg:$0x0] =	wrdreg $0x0  }
0xa8: {  	s5 =	sshll.u32 s28, $0x1;
	[dreg:$0x2] =	wrdreg s3  }
0xa9: {  	[dreg:$0x3] =	wrdreg s5  }
0xaa: {  	[dreg:$0x4] =	wrdreg $0xC0  }
0xab: {  	_ =	task [dreg:s7], $0x5FFFF  }
0xac: {  	[dreg:$0x1] =	wrdreg $0xFFFFFFFF  }
0xad: {  	[dreg:$0x0] =	wrdreg $0x60  }
0xae: {  	[dreg:$0x2] =	wrdreg s24  }
0xaf: {  	[dreg:$0x3] =	wrdreg s2  }
0xb0: {  	[dreg:$0x4] =	wrdreg $0x9  }
0xb1: {  	_ =	task.clear_ibuf [dreg:s7], $0x5FFFF;
	_ =	strace $0x90000046  }
0xb2: {  	s29 =	simm.s32 $0x9;
	_ =	strace $0x80000048  }
0xb3: {  	_ =	swait.ge [sflag:s29], $0x1  }
0xb4: {  	[sflag:s29] =	ssyncadd.s32 $0xFFFFFFFF  }
0xb5: {  	_ =	strace $0x90000048  }
0xb6: {  	_ =	sfence  }
0xb7: {  	s30 =	sld [smem:$0x0];
	_ =	sdelay $0x2  }
0xb8: {  	s31 =	sshll.u32 s1, $0xD;
	s1 =	sshrl.u32 s1, $0x2  }
0xb9: {  	s3 =	sand.u32 $0x4000, s31;
	s1 =	sadd.s32 s1, s30  }
0xba: {  	s0 =	sor.u32 s3, s0;
	s1 =	sshll.u32 s1, $0x11  }
0xbb: {  	s0 =	sor.u32 s1, s0  }
0xbc: {  	s0 =	sadd.s32 $0x8F2B, s0  }
0xbd: {  	[sflag:s0] =	ssyncadd.remote.s32 $0x1  }
0xbe: {  	_ =	sfence.sel $0xFFFF  }
0xbf: {  	[dreg:$0x0] =	wrdreg $0xFFFFFFFF;
	(pc) =	sbr.abs _section_cstart, $3  }
0xc0: {  	[dreg:$0x1] =	wrdreg $0xFFFFFFFF  }
0xc1: {  	_ =	task.clear_ibuf [dreg:s7], $0x2FFFF;
	_ =	strace $0x9FFFFFFF  }
0xc2: {  	(tm) =	ssettm $0x7FFFFFFF  }
0xc3: {  	_ =	shalt  }
tec
execute0_lowered:
.L_overlay_start_1:
0x0: {  	(tag) =	ssettag $0x1  }
0x1: {  	s3 =	rddreg [dreg:$0x0]  }
0x2: {  	s0 =	srdreg.scid;
	s2 =	stileid.u32  }
0x3: {  	s1 =	rddreg [dreg:$0x1];
	s0 =	sand.u32 $0x1, s0;
	s4 =	sshll.u32 s2, $0x1  }
0x4: {  	p0 =	por $0x0, $0x0;
	s2 =	simm.s32 $0x0;
	s6 =	sor.u32 s0, s4  }
0x5: {  	[smem:$0x7FF] =	sst s2;
	s4 =	sadd.s32 $0xA00, s3;
	s5 =	smul.u32 $0x6400, s6  }
0x6: {  	s0 =	ssub.s32 $0x2, s0;
	s3 =	sadd.s32 $0xF42E00, s3;
	s6 =	smul.u32 $0x19000, s6  }
0x7: {  	_ =	strace $0x80000047;
	s7 =	sshrl.u32 s5, $0x3;
	s8 =	sadd.s32 $0x500, s5  }
0x8: {  	s21 =	sadd.s32 $0xA00, s5;
	s6 =	sadd.s32 s1, s6;
	s26 =	sadd.s32 $0xF00, s5  }
0x9: {  	s10 =	sadd.s32 $0x1400, s5;
	s15 =	sadd.s32 $0x1900, s5;
	s18 =	sadd.s32 $0x1E00, s5  }
0xa: {  	s7 =	sadd.s32 s4, s7;
	s9 =	sshrl.u32 s8, $0x3;
	s22 =	sshrl.u32 s21, $0x3  }
0xb: {  	[dreg:$0x5] =	wrdreg s6;
	s24 =	sshll.u32 s8, $0x2;
	s8 =	sshrl.u32 s26, $0x3  }
0xc: {  	s12 =	sshrl.u32 s10, $0x3;
	s16 =	sshrl.u32 s15, $0x3;
	s17 =	sshll.u32 s10, $0x2  }
0xd: {  	[dreg:$0x3] =	wrdreg s7;
	s20 =	sadd.s32 s4, s9;
	s23 =	sadd.s32 s4, s22  }
0xe: {  	s25 =	sadd.s32 s1, s24;
	s6 =	sadd.s32 s4, s8;
	[dreg:$0x4] =	wrdreg s20  }
0xf: {  	s9 =	sshll.u32 s21, $0x2;
	s13 =	sadd.s32 s4, s12;
	[dreg:$0x6] =	wrdreg s23  }
0x10: {  	s7 =	sshll.u32 s26, $0x2;
	s19 =	sadd.s32 s1, s17;
	[dreg:$0x7] =	wrdreg s25  }
0x11: {  	s26 =	sadd.s32 $0x2800, s5;
	s8 =	sadd.s32 $0x3700, s5;
	[dreg:$0x8] =	wrdreg s6  }
0x12: {  	s11 =	sadd.s32 s1, s9;
	[dreg:$0xa] =	wrdreg s13;
	s14 =	sadd.s32 s1, s7  }
0x13: {  	s6 =	sadd.s32 s4, s16;
	s20 =	sshrl.u32 s18, $0x3;
	[dreg:$0xd] =	wrdreg s19  }
0x14: {  	s7 =	sshll.u32 s15, $0x2;
	s23 =	sadd.s32 $0x2300, s5;
	[dreg:$0x9] =	wrdreg s11  }
0x15: {  	s25 =	sshll.u32 s18, $0x2;
	s9 =	sshll.u32 s26, $0x2;
	[dreg:$0xb] =	wrdreg s14  }
0x16: {  	s19 =	sshrl.u32 s8, $0x3;
	s8 =	sshll.u32 s8, $0x2;
	[dreg:$0xc] =	wrdreg s6  }
0x17: {  	s21 =	sadd.s32 s4, s20;
	s22 =	sadd.s32 s1, s7;
	s24 =	sshrl.u32 s23, $0x3  }
0x18: {  	s10 =	sadd.s32 s1, s25;
	s11 =	sshrl.u32 s26, $0x3;
	s7 =	sshll.u32 s23, $0x2  }
0x19: {  	s14 =	sshrl.u32 s0, $0x1;
	s16 =	sadd.s32 s1, s9;
	[dreg:$0xe] =	wrdreg s21  }
0x1a: {  	s9 =	sadd.s32 $0x3C00, s5;
	s28 =	sadd.s32 s4, s19;
	[dreg:$0xf] =	wrdreg s22  }
0x1b: {  	s29 =	sadd.s32 s1, s8;
	s6 =	sadd.s32 s4, s24;
	[dreg:$0x11] =	wrdreg s10  }
0x1c: {  	s12 =	sadd.s32 s4, s11;
	s13 =	sadd.s32 s1, s7;
	[dreg:$0x15] =	wrdreg s16  }
0x1d: {  	s7 =	sadd.s32 $0x2D00, s5;
	s10 =	sadd.s32 $0x3200, s5;
	[dreg:$0x10] =	wrdreg s6  }
0x1e: {  	s0 =	ssub.s32 s0, s14;
	s11 =	sshrl.u32 s9, $0x3;
	[dreg:$0x12] =	wrdreg s12  }
0x1f: {  	s14 =	sadd.s32 $0x4B00, s5;
	s16 =	sadd.s32 $0x5500, s5;
	[dreg:$0x13] =	wrdreg s13  }
0x20: {  	s15 =	sshrl.u32 s7, $0x3;
	s17 =	sshrl.u32 s10, $0x3;
	[dreg:$0x17] =	wrdreg s0  }
0x21: {  	s12 =	sadd.s32 $0x4100, s5;
	s24 =	sadd.s32 s4, s11;
	s11 =	sadd.s32 $0x4600, s5  }
0x22: {  	s13 =	sshrl.u32 s14, $0x3;
	s0 =	sadd.s32 $0x5A00, s5;
	s25 =	sshrl.u32 s16, $0x3  }
0x23: {  	s7 =	sshll.u32 s7, $0x2;
	s10 =	sshll.u32 s10, $0x2;
	s6 =	sadd.s32 s4, s15  }
0x24: {  	s18 =	sadd.s32 s4, s17;
	s20 =	sshrl.u32 s12, $0x3;
	s21 =	sshrl.u32 s11, $0x3  }
0x25: {  	s15 =	sadd.s32 $0x5000, s5;
	s19 =	sadd.s32 s4, s13;
	s5 =	sadd.s32 $0x5F00, s5  }
0x26: {  	s13 =	sadd.s32 s4, s25;
	s31 =	sadd.s32 s1, s7;
	[dreg:$0x14] =	wrdreg s6  }
0x27: {  	s30 =	sadd.s32 s1, s10;
	s7 =	simm.s32 $0x3;
	[dreg:$0x16] =	wrdreg s18  }
0x28: {  	s22 =	sadd.s32 s4, s20;
	s21 =	sadd.s32 s4, s21;
	s23 =	sshrl.u32 s15, $0x3  }
0x29: {  	s18 =	sshrl.u32 s0, $0x3;
	s26 =	sshrl.u32 s5, $0x3;
	s20 =	sshll.u32 s12, $0x2  }
0x2a: {  	s10 =	sshll.u32 s15, $0x2;
	s0 =	sshll.u32 s0, $0x2;
	s12 =	sshll.u32 s5, $0x2  }
0x2b: {  	s17 =	sadd.s32 s4, s23;
	s6 =	sadd.s32 s4, s18;
	s4 =	sadd.s32 s4, s26  }
0x2c: {  	s18 =	sshll.u32 s9, $0x2;
	s9 =	sshll.u32 s14, $0x2;
	s14 =	rddreg [dreg:$0x17]  }
0x2d: {  	s23 =	sshll.u32 s11, $0x2;
	s25 =	sadd.s32 s1, s20;
	s15 =	smax.u32 s14, $0x1  }
0x2e: {  	s11 =	sshll.u32 s16, $0x2;
	s8 =	sadd.s32 s1, s0;
	p1 =	sne.s32 s15, $0x1  }
.Ltmp0:
0x2f: {  	s5 =	sadd.s32 s1, s12;
	s12 =	simm.s32 $0x500;
	(pc) =	sbr.rel @!p1 .LBB2_3-.Ltmp0, $4  }
0x30: {  	s0 =	rddreg [dreg:$0x3];
	s26 =	sadd.s32 s1, s18;
	s23 =	sadd.s32 s1, s23  }
0x31: {  	s20 =	sadd.s32 s1, s9;
	s18 =	sadd.s32 s1, s10;
	s16 =	sadd.s32 s1, s11  }
0x32: {  	s14 =	simm.s32 $0x4;
	s10 =	simm.s32 $0x1;
	s11 =	simm.s32 $0xAA00  }
0x33: {  	s9 =	simm.s32 $0x2;
	s1 =	sadd.s32 $0xFFFFFFFF, s15;
	s15 =	simm.s32 $0xA00  }
0x34: {  	[tilespmem:s2], [sflag:$0x4] =	stream.linear.gather [hbm4b:s0+s2], $0x500, $0x38;
	[tilespmem:$0x14A00] =	vst v63  }
0x35: {  	_ =	swait.ge [sflag:s14], $0x500  }
0x36: {  	[sflag:s14] =	ssyncset.done $0x0  }
0x37: {  	[sflag:s14] =	ssyncadd.s32 $0xFFFFFB00  }
0x38: {  	[tilespmem:s15], [sflag:$0x1] =	stream.indirect.gather [hbm4b:s3+s12], $0x20, s2, s12, $0xb8;
	[tilespmem:$0x14A00] =	vst v63  }
0x39: {  	s0 =	rddreg [dreg:$0x4]  }
0x3a: {  	[tilespmem:s12], [sflag:$0x4] =	stream.linear.gather [hbm4b:s0+s2], $0x500, $0x38;
	[tilespmem:$0x14A00] =	vst v63  }
0x3b: {  	_ =	swait.ge [sflag:s14], $0x500  }
0x3c: {  	[sflag:s14] =	ssyncset.done $0x0  }
0x3d: {  	[sflag:s14] =	ssyncadd.s32 $0xFFFFFB00  }
0x3e: {  	_ =	swait.ge [sflag:s10], $0xA000  }
0x3f: {  	[sflag:s10] =	ssyncset.done $0x0  }
0x40: {  	s0 =	rddreg [dreg:$0x5];
	[sflag:s10] =	ssyncadd.s32 $0xFFFF6000  }
0x41: {  	[hbm4b:s0+s2] =	stream.linear.scatter [tilespmem:s15], [sflag:$0x2], $0xA000, $0x38;
	[tilespmem:$0x14A00] =	vst v63  }
0x42: {  	_ = 	snop  }
0x43: {  	[tilespmem:s11], [sflag:$0x1] =	stream.indirect.gather [hbm4b:s3+s12], $0x20, s12, s12, $0xb8;
	[tilespmem:$0x14A00] =	vst v63  }
0x44: {  	s0 =	rddreg [dreg:$0x6]  }
0x45: {  	[tilespmem:s2], [sflag:$0x4] =	stream.linear.gather [hbm4b:s0+s2], $0x500, $0x38;
	[tilespmem:$0x14A00] =	vst v63  }
0x46: {  	_ =	swait.ge [sflag:s14], $0x500  }
0x47: {  	[sflag:s14] =	ssyncset.done $0x0  }
0x48: {  	[sflag:s14] =	ssyncadd.s32 $0xFFFFFB00  }
0x49: {  	_ =	swait.ge [sflag:s10], $0xA000  }
0x4a: {  	[sflag:s10] =	ssyncset.done $0x0  }
0x4b: {  	s0 =	rddreg [dreg:$0x7];
	[sflag:s10] =	ssyncadd.s32 $0xFFFF6000  }
0x4c: {  	[hbm4b:s0+s2] =	stream.linear.scatter [tilespmem:s11], [sflag:$0x3], $0xA000, $0x38;
	[tilespmem:$0x14A00] =	vst v63  }
0x4d: {  	_ =	swait.ge [sflag:s9], $0xA000  }
0x4e: {  	[sflag:s9] =	ssyncset.done $0x0  }
0x4f: {  	[sflag:s9] =	ssyncadd.s32 $0xFFFF6000  }
0x50: {  	[tilespmem:s15], [sflag:$0x1] =	stream.indirect.gather [hbm4b:s3+s12], $0x20, s2, s12, $0xb8;
	[tilespmem:$0x14A00] =	vst v63  }
0x51: {  	s0 =	rddreg [dreg:$0x8]  }
0x52: {  	[tilespmem:s12], [sflag:$0x4] =	stream.linear.gather [hbm4b:s0+s2], $0x500, $0x38;
	[tilespmem:$0x14A00] =	vst v63  }
0x53: {  	_ =	swait.ge [sflag:s14], $0x500  }
0x54: {  	[sflag:s14] =	ssyncset.done $0x0  }
0x55: {  	[sflag:s14] =	ssyncadd.s32 $0xFFFFFB00  }
0x56: {  	_ =	swait.ge [sflag:s10], $0xA000  }
0x57: {  	[sflag:s10] =	ssyncset.done $0x0  }
0x58: {  	s0 =	rddreg [dreg:$0x9];
	[sflag:s10] =	ssyncadd.s32 $0xFFFF6000  }
0x59: {  	[hbm4b:s0+s2] =	stream.linear.scatter [tilespmem:s15], [sflag:$0x2], $0xA000, $0x38;
	[tilespmem:$0x14A00] =	vst v63  }
0x5a: {  	_ =	swait.ge [sflag:s7], $0xA000  }
0x5b: {  	[sflag:s7] =	ssyncset.done $0x0  }
0x5c: {  	[sflag:s7] =	ssyncadd.s32 $0xFFFF6000  }
0x5d: {  	[tilespmem:s11], [sflag:$0x1] =	stream.indirect.gather [hbm4b:s3+s12], $0x20, s12, s12, $0xb8;
	[tilespmem:$0x14A00] =	vst v63  }
0x5e: {  	s0 =	rddreg [dreg:$0xa]  }
0x5f: {  	[tilespmem:s2], [sflag:$0x4] =	stream.linear.gather [hbm4b:s0+s2], $0x500, $0x38;
	[tilespmem:$0x14A00] =	vst v63  }
0x60: {  	_ =	swait.ge [sflag:s14], $0x500  }
0x61: {  	[sflag:s14] =	ssyncset.done $0x0  }
0x62: {  	[sflag:s14] =	ssyncadd.s32 $0xFFFFFB00  }
0x63: {  	_ =	swait.ge [sflag:s10], $0xA000  }
0x64: {  	[sflag:s10] =	ssyncset.done $0x0  }
0x65: {  	s0 =	rddreg [dreg:$0xb];
	[sflag:s10] =	ssyncadd.s32 $0xFFFF6000  }
0x66: {  	[hbm4b:s0+s2] =	stream.linear.scatter [tilespmem:s11], [sflag:$0x3], $0xA000, $0x38;
	[tilespmem:$0x14A00] =	vst v63  }
0x67: {  	_ =	swait.ge [sflag:s9], $0xA000  }
0x68: {  	[sflag:s9] =	ssyncset.done $0x0  }
0x69: {  	[sflag:s9] =	ssyncadd.s32 $0xFFFF6000  }
0x6a: {  	[tilespmem:s15], [sflag:$0x1] =	stream.indirect.gather [hbm4b:s3+s12], $0x20, s2, s12, $0xb8;
	[tilespmem:$0x14A00] =	vst v63  }
0x6b: {  	s0 =	rddreg [dreg:$0xc]  }
0x6c: {  	[tilespmem:s12], [sflag:$0x4] =	stream.linear.gather [hbm4b:s0+s2], $0x500, $0x38;
	[tilespmem:$0x14A00] =	vst v63  }
0x6d: {  	_ =	swait.ge [sflag:s14], $0x500  }
0x6e: {  	[sflag:s14] =	ssyncset.done $0x0  }
0x6f: {  	[sflag:s14] =	ssyncadd.s32 $0xFFFFFB00  }
0x70: {  	_ =	swait.ge [sflag:s10], $0xA000  }
0x71: {  	[sflag:s10] =	ssyncset.done $0x0  }
0x72: {  	s0 =	rddreg [dreg:$0xd];
	[sflag:s10] =	ssyncadd.s32 $0xFFFF6000  }
0x73: {  	[hbm4b:s0+s2] =	stream.linear.scatter [tilespmem:s15], [sflag:$0x2], $0xA000, $0x38;
	[tilespmem:$0x14A00] =	vst v63  }
0x74: {  	_ =	swait.ge [sflag:s7], $0xA000  }
0x75: {  	[sflag:s7] =	ssyncset.done $0x0  }
0x76: {  	[sflag:s7] =	ssyncadd.s32 $0xFFFF6000  }
0x77: {  	[tilespmem:s11], [sflag:$0x1] =	stream.indirect.gather [hbm4b:s3+s12], $0x20, s12, s12, $0xb8;
	[tilespmem:$0x14A00] =	vst v63  }
0x78: {  	s0 =	rddreg [dreg:$0xe]  }
0x79: {  	[tilespmem:s2], [sflag:$0x4] =	stream.linear.gather [hbm4b:s0+s2], $0x500, $0x38;
	[tilespmem:$0x14A00] =	vst v63  }
0x7a: {  	_ =	swait.ge [sflag:s14], $0x500  }
0x7b: {  	[sflag:s14] =	ssyncset.done $0x0  }
0x7c: {  	[sflag:s14] =	ssyncadd.s32 $0xFFFFFB00  }
0x7d: {  	_ =	swait.ge [sflag:s10], $0xA000  }
0x7e: {  	[sflag:s10] =	ssyncset.done $0x0  }
0x7f: {  	s0 =	rddreg [dreg:$0xf];
	[sflag:s10] =	ssyncadd.s32 $0xFFFF6000  }
0x80: {  	[hbm4b:s0+s2] =	stream.linear.scatter [tilespmem:s11], [sflag:$0x3], $0xA000, $0x38;
	[tilespmem:$0x14A00] =	vst v63  }
0x81: {  	_ =	swait.ge [sflag:s9], $0xA000  }
0x82: {  	[sflag:s9] =	ssyncset.done $0x0  }
0x83: {  	[sflag:s9] =	ssyncadd.s32 $0xFFFF6000  }
0x84: {  	[tilespmem:s15], [sflag:$0x1] =	stream.indirect.gather [hbm4b:s3+s12], $0x20, s2, s12, $0xb8;
	[tilespmem:$0x14A00] =	vst v63  }
0x85: {  	s0 =	rddreg [dreg:$0x10]  }
0x86: {  	[tilespmem:s12], [sflag:$0x4] =	stream.linear.gather [hbm4b:s0+s2], $0x500, $0x38;
	[tilespmem:$0x14A00] =	vst v63  }
0x87: {  	_ =	swait.ge [sflag:s14], $0x500  }
0x88: {  	[sflag:s14] =	ssyncset.done $0x0  }
0x89: {  	[sflag:s14] =	ssyncadd.s32 $0xFFFFFB00  }
0x8a: {  	_ =	swait.ge [sflag:s10], $0xA000  }
0x8b: {  	[sflag:s10] =	ssyncset.done $0x0  }
0x8c: {  	s0 =	rddreg [dreg:$0x11];
	[sflag:s10] =	ssyncadd.s32 $0xFFFF6000  }
0x8d: {  	[hbm4b:s0+s2] =	stream.linear.scatter [tilespmem:s15], [sflag:$0x2], $0xA000, $0x38;
	[tilespmem:$0x14A00] =	vst v63  }
0x8e: {  	_ =	swait.ge [sflag:s7], $0xA000  }
0x8f: {  	[sflag:s7] =	ssyncset.done $0x0  }
0x90: {  	[sflag:s7] =	ssyncadd.s32 $0xFFFF6000  }
0x91: {  	[tilespmem:s11], [sflag:$0x1] =	stream.indirect.gather [hbm4b:s3+s12], $0x20, s12, s12, $0xb8;
	[tilespmem:$0x14A00] =	vst v63  }
0x92: {  	s0 =	rddreg [dreg:$0x12]  }
0x93: {  	[tilespmem:s2], [sflag:$0x4] =	stream.linear.gather [hbm4b:s0+s2], $0x500, $0x38;
	[tilespmem:$0x14A00] =	vst v63  }
0x94: {  	_ =	swait.ge [sflag:s14], $0x500  }
0x95: {  	[sflag:s14] =	ssyncset.done $0x0  }
0x96: {  	[sflag:s14] =	ssyncadd.s32 $0xFFFFFB00  }
0x97: {  	_ =	swait.ge [sflag:s10], $0xA000  }
0x98: {  	[sflag:s10] =	ssyncset.done $0x0  }
0x99: {  	s0 =	rddreg [dreg:$0x13];
	[sflag:s10] =	ssyncadd.s32 $0xFFFF6000  }
0x9a: {  	[hbm4b:s0+s2] =	stream.linear.scatter [tilespmem:s11], [sflag:$0x3], $0xA000, $0x38;
	[tilespmem:$0x14A00] =	vst v63  }
0x9b: {  	_ =	swait.ge [sflag:s9], $0xA000  }
0x9c: {  	[sflag:s9] =	ssyncset.done $0x0  }
0x9d: {  	[sflag:s9] =	ssyncadd.s32 $0xFFFF6000  }
0x9e: {  	[tilespmem:s15], [sflag:$0x1] =	stream.indirect.gather [hbm4b:s3+s12], $0x20, s2, s12, $0xb8;
	[tilespmem:$0x14A00] =	vst v63  }
0x9f: {  	s0 =	rddreg [dreg:$0x14]  }
0xa0: {  	[tilespmem:s12], [sflag:$0x4] =	stream.linear.gather [hbm4b:s0+s2], $0x500, $0x38;
	[tilespmem:$0x14A00] =	vst v63  }
0xa1: {  	_ =	swait.ge [sflag:s14], $0x500  }
0xa2: {  	[sflag:s14] =	ssyncset.done $0x0  }
0xa3: {  	[sflag:s14] =	ssyncadd.s32 $0xFFFFFB00  }
0xa4: {  	_ =	swait.ge [sflag:s10], $0xA000  }
0xa5: {  	[sflag:s10] =	ssyncset.done $0x0  }
0xa6: {  	s0 =	rddreg [dreg:$0x15];
	[sflag:s10] =	ssyncadd.s32 $0xFFFF6000  }
0xa7: {  	[hbm4b:s0+s2] =	stream.linear.scatter [tilespmem:s15], [sflag:$0x2], $0xA000, $0x38;
	[tilespmem:$0x14A00] =	vst v63  }
0xa8: {  	_ =	swait.ge [sflag:s7], $0xA000  }
0xa9: {  	[sflag:s7] =	ssyncset.done $0x0  }
0xaa: {  	[sflag:s7] =	ssyncadd.s32 $0xFFFF6000  }
0xab: {  	[tilespmem:s11], [sflag:$0x1] =	stream.indirect.gather [hbm4b:s3+s12], $0x20, s12, s12, $0xb8;
	[tilespmem:$0x14A00] =	vst v63  }
0xac: {  	s0 =	rddreg [dreg:$0x16]  }
0xad: {  	[tilespmem:s2], [sflag:$0x4] =	stream.linear.gather [hbm4b:s0+s2], $0x500, $0x38;
	[tilespmem:$0x14A00] =	vst v63  }
0xae: {  	_ =	swait.ge [sflag:s14], $0x500  }
0xaf: {  	[sflag:s14] =	ssyncset.done $0x0  }
0xb0: {  	[sflag:s14] =	ssyncadd.s32 $0xFFFFFB00  }
0xb1: {  	_ =	swait.ge [sflag:s10], $0xA000  }
0xb2: {  	[sflag:s10] =	ssyncset.done $0x0  }
0xb3: {  	[sflag:s10] =	ssyncadd.s32 $0xFFFF6000  }
0xb4: {  	[hbm4b:s31+s2] =	stream.linear.scatter [tilespmem:s11], [sflag:$0x3], $0xA000, $0x38;
	[tilespmem:$0x14A00] =	vst v63  }
0xb5: {  	_ =	swait.ge [sflag:s9], $0xA000  }
0xb6: {  	[sflag:s9] =	ssyncset.done $0x0  }
0xb7: {  	[sflag:s9] =	ssyncadd.s32 $0xFFFF6000  }
0xb8: {  	[tilespmem:s15], [sflag:$0x1] =	stream.indirect.gather [hbm4b:s3+s12], $0x20, s2, s12, $0xb8;
	[tilespmem:$0x14A00] =	vst v63  }
0xb9: {  	_ = 	snop  }
0xba: {  	[tilespmem:s12], [sflag:$0x4] =	stream.linear.gather [hbm4b:s28+s2], $0x500, $0x38;
	[tilespmem:$0x14A00] =	vst v63  }
0xbb: {  	_ =	swait.ge [sflag:s14], $0x500  }
0xbc: {  	[sflag:s14] =	ssyncset.done $0x0  }
0xbd: {  	[sflag:s14] =	ssyncadd.s32 $0xFFFFFB00  }
0xbe: {  	_ =	swait.ge [sflag:s10], $0xA000  }
0xbf: {  	[sflag:s10] =	ssyncset.done $0x0  }
0xc0: {  	[sflag:s10] =	ssyncadd.s32 $0xFFFF6000  }
0xc1: {  	[hbm4b:s30+s2] =	stream.linear.scatter [tilespmem:s15], [sflag:$0x2], $0xA000, $0x38;
	[tilespmem:$0x14A00] =	vst v63  }
0xc2: {  	_ =	swait.ge [sflag:s7], $0xA000  }
0xc3: {  	[sflag:s7] =	ssyncset.done $0x0  }
0xc4: {  	[sflag:s7] =	ssyncadd.s32 $0xFFFF6000  }
0xc5: {  	[tilespmem:s11], [sflag:$0x1] =	stream.indirect.gather [hbm4b:s3+s12], $0x20, s12, s12, $0xb8;
	[tilespmem:$0x14A00] =	vst v63  }
0xc6: {  	_ = 	snop  }
0xc7: {  	[tilespmem:s2], [sflag:$0x4] =	stream.linear.gather [hbm4b:s24+s2], $0x500, $0x38;
	[tilespmem:$0x14A00] =	vst v63  }
0xc8: {  	_ =	swait.ge [sflag:s14], $0x500  }
0xc9: {  	[sflag:s14] =	ssyncset.done $0x0  }
0xca: {  	[sflag:s14] =	ssyncadd.s32 $0xFFFFFB00  }
0xcb: {  	_ =	swait.ge [sflag:s10], $0xA000  }
0xcc: {  	[sflag:s10] =	ssyncset.done $0x0  }
0xcd: {  	[sflag:s10] =	ssyncadd.s32 $0xFFFF6000  }
0xce: {  	[hbm4b:s29+s2] =	stream.linear.scatter [tilespmem:s11], [sflag:$0x3], $0xA000, $0x38;
	[tilespmem:$0x14A00] =	vst v63  }
0xcf: {  	_ =	swait.ge [sflag:s9], $0xA000  }
0xd0: {  	[sflag:s9] =	ssyncset.done $0x0  }
0xd1: {  	[sflag:s9] =	ssyncadd.s32 $0xFFFF6000  }
0xd2: {  	[tilespmem:s15], [sflag:$0x1] =	stream.indirect.gather [hbm4b:s3+s12], $0x20, s2, s12, $0xb8;
	[tilespmem:$0x14A00] =	vst v63  }
0xd3: {  	_ = 	snop  }
0xd4: {  	[tilespmem:s12], [sflag:$0x4] =	stream.linear.gather [hbm4b:s22+s2], $0x500, $0x38;
	[tilespmem:$0x14A00] =	vst v63  }
0xd5: {  	_ =	swait.ge [sflag:s14], $0x500  }
0xd6: {  	[sflag:s14] =	ssyncset.done $0x0  }
0xd7: {  	[sflag:s14] =	ssyncadd.s32 $0xFFFFFB00  }
0xd8: {  	_ =	swait.ge [sflag:s10], $0xA000  }
0xd9: {  	[sflag:s10] =	ssyncset.done $0x0  }
0xda: {  	[sflag:s10] =	ssyncadd.s32 $0xFFFF6000  }
0xdb: {  	[hbm4b:s26+s2] =	stream.linear.scatter [tilespmem:s15], [sflag:$0x2], $0xA000, $0x38;
	[tilespmem:$0x14A00] =	vst v63  }
0xdc: {  	_ =	swait.ge [sflag:s7], $0xA000  }
0xdd: {  	[sflag:s7] =	ssyncset.done $0x0  }
0xde: {  	[sflag:s7] =	ssyncadd.s32 $0xFFFF6000  }
0xdf: {  	[tilespmem:s11], [sflag:$0x1] =	stream.indirect.gather [hbm4b:s3+s12], $0x20, s12, s12, $0xb8;
	[tilespmem:$0x14A00] =	vst v63  }
0xe0: {  	_ = 	snop  }
0xe1: {  	[tilespmem:s2], [sflag:$0x4] =	stream.linear.gather [hbm4b:s21+s2], $0x500, $0x38;
	[tilespmem:$0x14A00] =	vst v63  }
0xe2: {  	_ =	swait.ge [sflag:s14], $0x500  }
0xe3: {  	[sflag:s14] =	ssyncset.done $0x0  }
0xe4: {  	[sflag:s14] =	ssyncadd.s32 $0xFFFFFB00  }
0xe5: {  	_ =	swait.ge [sflag:s10], $0xA000  }
0xe6: {  	[sflag:s10] =	ssyncset.done $0x0  }
0xe7: {  	[sflag:s10] =	ssyncadd.s32 $0xFFFF6000  }
0xe8: {  	[hbm4b:s25+s2] =	stream.linear.scatter [tilespmem:s11], [sflag:$0x3], $0xA000, $0x38;
	[tilespmem:$0x14A00] =	vst v63  }
0xe9: {  	_ =	swait.ge [sflag:s9], $0xA000  }
0xea: {  	[sflag:s9] =	ssyncset.done $0x0  }
0xeb: {  	[sflag:s9] =	ssyncadd.s32 $0xFFFF6000  }
0xec: {  	[tilespmem:s15], [sflag:$0x1] =	stream.indirect.gather [hbm4b:s3+s12], $0x20, s2, s12, $0xb8;
	[tilespmem:$0x14A00] =	vst v63  }
0xed: {  	_ = 	snop  }
0xee: {  	[tilespmem:s12], [sflag:$0x4] =	stream.linear.gather [hbm4b:s19+s2], $0x500, $0x38;
	[tilespmem:$0x14A00] =	vst v63  }
0xef: {  	_ =	swait.ge [sflag:s14], $0x500  }
0xf0: {  	[sflag:s14] =	ssyncset.done $0x0  }
0xf1: {  	[sflag:s14] =	ssyncadd.s32 $0xFFFFFB00  }
0xf2: {  	_ =	swait.ge [sflag:s10], $0xA000  }
0xf3: {  	[sflag:s10] =	ssyncset.done $0x0  }
0xf4: {  	[sflag:s10] =	ssyncadd.s32 $0xFFFF6000  }
0xf5: {  	[hbm4b:s23+s2] =	stream.linear.scatter [tilespmem:s15], [sflag:$0x2], $0xA000, $0x38;
	[tilespmem:$0x14A00] =	vst v63  }
0xf6: {  	_ =	swait.ge [sflag:s7], $0xA000  }
0xf7: {  	[sflag:s7] =	ssyncset.done $0x0  }
0xf8: {  	[sflag:s7] =	ssyncadd.s32 $0xFFFF6000  }
0xf9: {  	[tilespmem:s11], [sflag:$0x1] =	stream.indirect.gather [hbm4b:s3+s12], $0x20, s12, s12, $0xb8;
	[tilespmem:$0x14A00] =	vst v63  }
0xfa: {  	_ = 	snop  }
0xfb: {  	[tilespmem:s2], [sflag:$0x4] =	stream.linear.gather [hbm4b:s17+s2], $0x500, $0x38;
	[tilespmem:$0x14A00] =	vst v63  }
0xfc: {  	_ =	swait.ge [sflag:s14], $0x500  }
0xfd: {  	[sflag:s14] =	ssyncset.done $0x0  }
0xfe: {  	[sflag:s14] =	ssyncadd.s32 $0xFFFFFB00  }
0xff: {  	_ =	swait.ge [sflag:s10], $0xA000  }
0x100: {  	[sflag:s10] =	ssyncset.done $0x0  }
0x101: {  	[sflag:s10] =	ssyncadd.s32 $0xFFFF6000  }
0x102: {  	[hbm4b:s20+s2] =	stream.linear.scatter [tilespmem:s11], [sflag:$0x3], $0xA000, $0x38;
	[tilespmem:$0x14A00] =	vst v63  }
0x103: {  	_ =	swait.ge [sflag:s9], $0xA000  }
0x104: {  	[sflag:s9] =	ssyncset.done $0x0  }
0x105: {  	[sflag:s9] =	ssyncadd.s32 $0xFFFF6000  }
0x106: {  	[tilespmem:s15], [sflag:$0x1] =	stream.indirect.gather [hbm4b:s3+s12], $0x20, s2, s12, $0xb8;
	[tilespmem:$0x14A00] =	vst v63  }
0x107: {  	_ = 	snop  }
0x108: {  	[tilespmem:s12], [sflag:$0x4] =	stream.linear.gather [hbm4b:s13+s2], $0x500, $0x38;
	[tilespmem:$0x14A00] =	vst v63  }
0x109: {  	_ =	swait.ge [sflag:s14], $0x500  }
0x10a: {  	[sflag:s14] =	ssyncset.done $0x0  }
0x10b: {  	[sflag:s14] =	ssyncadd.s32 $0xFFFFFB00  }
0x10c: {  	_ =	swait.ge [sflag:s10], $0xA000  }
0x10d: {  	[sflag:s10] =	ssyncset.done $0x0  }
0x10e: {  	[sflag:s10] =	ssyncadd.s32 $0xFFFF6000  }
0x10f: {  	[hbm4b:s18+s2] =	stream.linear.scatter [tilespmem:s15], [sflag:$0x2], $0xA000, $0x38;
	[tilespmem:$0x14A00] =	vst v63  }
0x110: {  	_ =	swait.ge [sflag:s7], $0xA000  }
0x111: {  	[sflag:s7] =	ssyncset.done $0x0  }
0x112: {  	[sflag:s7] =	ssyncadd.s32 $0xFFFF6000  }
0x113: {  	[tilespmem:s11], [sflag:$0x1] =	stream.indirect.gather [hbm4b:s3+s12], $0x20, s12, s12, $0xb8;
	[tilespmem:$0x14A00] =	vst v63  }
0x114: {  	_ = 	snop  }
0x115: {  	[tilespmem:s2], [sflag:$0x4] =	stream.linear.gather [hbm4b:s6+s2], $0x500, $0x38;
	[tilespmem:$0x14A00] =	vst v63  }
0x116: {  	_ =	swait.ge [sflag:s14], $0x500  }
0x117: {  	[sflag:s14] =	ssyncset.done $0x0  }
0x118: {  	[sflag:s14] =	ssyncadd.s32 $0xFFFFFB00  }
0x119: {  	_ =	swait.ge [sflag:s10], $0xA000  }
0x11a: {  	[sflag:s10] =	ssyncset.done $0x0  }
0x11b: {  	[sflag:s10] =	ssyncadd.s32 $0xFFFF6000  }
0x11c: {  	[hbm4b:s16+s2] =	stream.linear.scatter [tilespmem:s11], [sflag:$0x3], $0xA000, $0x38;
	[tilespmem:$0x14A00] =	vst v63  }
0x11d: {  	_ =	swait.ge [sflag:s9], $0xA000  }
0x11e: {  	[sflag:s9] =	ssyncset.done $0x0  }
0x11f: {  	[sflag:s9] =	ssyncadd.s32 $0xFFFF6000  }
0x120: {  	[tilespmem:s15], [sflag:$0x1] =	stream.indirect.gather [hbm4b:s3+s12], $0x20, s2, s12, $0xb8;
	[tilespmem:$0x14A00] =	vst v63  }
0x121: {  	_ = 	snop  }
0x122: {  	[tilespmem:s12], [sflag:$0x4] =	stream.linear.gather [hbm4b:s4+s2], $0x500, $0x38;
	[tilespmem:$0x14A00] =	vst v63  }
0x123: {  	_ =	swait.ge [sflag:s14], $0x500  }
0x124: {  	[sflag:s14] =	ssyncset.done $0x0  }
0x125: {  	[sflag:s14] =	ssyncadd.s32 $0xFFFFFB00  }
0x126: {  	_ =	swait.ge [sflag:s10], $0xA000  }
0x127: {  	[sflag:s10] =	ssyncset.done $0x0  }
0x128: {  	[sflag:s10] =	ssyncadd.s32 $0xFFFF6000  }
0x129: {  	[hbm4b:s8+s2] =	stream.linear.scatter [tilespmem:s15], [sflag:$0x2], $0xA000, $0x38;
	[tilespmem:$0x14A00] =	vst v63  }
0x12a: {  	_ =	swait.ge [sflag:s7], $0xA000  }
0x12b: {  	[sflag:s7] =	ssyncset.done $0x0  }
0x12c: {  	[sflag:s7] =	ssyncadd.s32 $0xFFFF6000  }
0x12d: {  	[tilespmem:s11], [sflag:$0x1] =	stream.indirect.gather [hbm4b:s3+s12], $0x20, s12, s12, $0xb8;
	[tilespmem:$0x14A00] =	vst v63  }
0x12e: {  	_ =	swait.ge [sflag:s10], $0xA000  }
0x12f: {  	[sflag:s10] =	ssyncset.done $0x0  }
0x130: {  	p1 =	sne.s32 s1, $0x1;
	[sflag:s10] =	ssyncadd.s32 $0xFFFF6000  }
0x131: {  	[hbm4b:s5+s2] =	stream.linear.scatter [tilespmem:s11], [sflag:$0x3], $0xA000, $0x38;
	[tilespmem:$0x14A00] =	vst v63  }
.Ltmp1:
0x132: {  	_ =	swait.ge [sflag:s9], $0xA000;
	(pc) =	sbr.rel @!p1 .LBB2_3-.Ltmp1, $4  }
0x133: {  	[sflag:s9] =	ssyncset.done $0x0  }
0x134: {  	[sflag:s9] =	ssyncadd.s32 $0xFFFF6000  }
0x135: {  	s1 =	sadd.s32 $0xFFFFFFFF, s1;
	_ =	swait.ge [sflag:s7], $0xA000  }
0x136: {  	p0 =	por $0x1, $0x1;
	s0 =	rddreg [dreg:$0x3];
	[sflag:s7] =	ssyncset.done $0x0  }
.LBB2_2:
0x137: {  	[sflag:s7] =	ssyncadd.s32 $0xFFFF6000  }
0x138: {  	[tilespmem:s2], [sflag:$0x4] =	stream.linear.gather [hbm4b:s0+s2], $0x500, $0x38;
	[tilespmem:$0x14A00] =	vst v63  }
0x139: {  	_ =	swait.ge [sflag:s14], $0x500  }
0x13a: {  	[sflag:s14] =	ssyncset.done $0x0  }
0x13b: {  	[sflag:s14] =	ssyncadd.s32 $0xFFFFFB00  }
0x13c: {  	[tilespmem:s15], [sflag:$0x1] =	stream.indirect.gather [hbm4b:s3+s12], $0x20, s2, s12, $0xb8;
	[tilespmem:$0x14A00] =	vst v63  }
0x13d: {  	s0 =	rddreg [dreg:$0x4]  }
0x13e: {  	[tilespmem:s12], [sflag:$0x4] =	stream.linear.gather [hbm4b:s0+s2], $0x500, $0x38;
	[tilespmem:$0x14A00] =	vst v63  }
0x13f: {  	_ =	swait.ge [sflag:s14], $0x500  }
0x140: {  	[sflag:s14] =	ssyncset.done $0x0  }
0x141: {  	[sflag:s14] =	ssyncadd.s32 $0xFFFFFB00  }
0x142: {  	_ =	swait.ge [sflag:s10], $0xA000  }
0x143: {  	[sflag:s10] =	ssyncset.done $0x0  }
0x144: {  	s0 =	rddreg [dreg:$0x5];
	[sflag:s10] =	ssyncadd.s32 $0xFFFF6000  }
0x145: {  	[hbm4b:s0+s2] =	stream.linear.scatter [tilespmem:s15], [sflag:$0x2], $0xA000, $0x38;
	[tilespmem:$0x14A00] =	vst v63  }
0x146: {  	_ = 	snop  }
0x147: {  	[tilespmem:s11], [sflag:$0x1] =	stream.indirect.gather [hbm4b:s3+s12], $0x20, s12, s12, $0xb8;
	[tilespmem:$0x14A00] =	vst v63  }
0x148: {  	s0 =	rddreg [dreg:$0x6]  }
0x149: {  	[tilespmem:s2], [sflag:$0x4] =	stream.linear.gather [hbm4b:s0+s2], $0x500, $0x38;
	[tilespmem:$0x14A00] =	vst v63  }
0x14a: {  	_ =	swait.ge [sflag:s14], $0x500  }
0x14b: {  	[sflag:s14] =	ssyncset.done $0x0  }
0x14c: {  	[sflag:s14] =	ssyncadd.s32 $0xFFFFFB00  }
0x14d: {  	_ =	swait.ge [sflag:s10], $0xA000  }
0x14e: {  	[sflag:s10] =	ssyncset.done $0x0  }
0x14f: {  	s0 =	rddreg [dreg:$0x7];
	[sflag:s10] =	ssyncadd.s32 $0xFFFF6000  }
0x150: {  	[hbm4b:s0+s2] =	stream.linear.scatter [tilespmem:s11], [sflag:$0x3], $0xA000, $0x38;
	[tilespmem:$0x14A00] =	vst v63  }
0x151: {  	_ =	swait.ge [sflag:s9], $0xA000  }
0x152: {  	[sflag:s9] =	ssyncset.done $0x0  }
0x153: {  	[sflag:s9] =	ssyncadd.s32 $0xFFFF6000  }
0x154: {  	[tilespmem:s15], [sflag:$0x1] =	stream.indirect.gather [hbm4b:s3+s12], $0x20, s2, s12, $0xb8;
	[tilespmem:$0x14A00] =	vst v63  }
0x155: {  	s0 =	rddreg [dreg:$0x8]  }
0x156: {  	[tilespmem:s12], [sflag:$0x4] =	stream.linear.gather [hbm4b:s0+s2], $0x500, $0x38;
	[tilespmem:$0x14A00] =	vst v63  }
0x157: {  	_ =	swait.ge [sflag:s14], $0x500  }
0x158: {  	[sflag:s14] =	ssyncset.done $0x0  }
0x159: {  	[sflag:s14] =	ssyncadd.s32 $0xFFFFFB00  }
0x15a: {  	_ =	swait.ge [sflag:s10], $0xA000  }
0x15b: {  	[sflag:s10] =	ssyncset.done $0x0  }
0x15c: {  	s0 =	rddreg [dreg:$0x9];
	[sflag:s10] =	ssyncadd.s32 $0xFFFF6000  }
0x15d: {  	[hbm4b:s0+s2] =	stream.linear.scatter [tilespmem:s15], [sflag:$0x2], $0xA000, $0x38;
	[tilespmem:$0x14A00] =	vst v63  }
0x15e: {  	_ =	swait.ge [sflag:s7], $0xA000  }
0x15f: {  	[sflag:s7] =	ssyncset.done $0x0  }
0x160: {  	[sflag:s7] =	ssyncadd.s32 $0xFFFF6000  }
0x161: {  	[tilespmem:s11], [sflag:$0x1] =	stream.indirect.gather [hbm4b:s3+s12], $0x20, s12, s12, $0xb8;
	[tilespmem:$0x14A00] =	vst v63  }
0x162: {  	s0 =	rddreg [dreg:$0xa]  }
0x163: {  	[tilespmem:s2], [sflag:$0x4] =	stream.linear.gather [hbm4b:s0+s2], $0x500, $0x38;
	[tilespmem:$0x14A00] =	vst v63  }
0x164: {  	_ =	swait.ge [sflag:s14], $0x500  }
0x165: {  	[sflag:s14] =	ssyncset.done $0x0  }
0x166: {  	[sflag:s14] =	ssyncadd.s32 $0xFFFFFB00  }
0x167: {  	_ =	swait.ge [sflag:s10], $0xA000  }
0x168: {  	[sflag:s10] =	ssyncset.done $0x0  }
0x169: {  	s0 =	rddreg [dreg:$0xb];
	[sflag:s10] =	ssyncadd.s32 $0xFFFF6000  }
0x16a: {  	[hbm4b:s0+s2] =	stream.linear.scatter [tilespmem:s11], [sflag:$0x3], $0xA000, $0x38;
	[tilespmem:$0x14A00] =	vst v63  }
0x16b: {  	_ =	swait.ge [sflag:s9], $0xA000  }
0x16c: {  	[sflag:s9] =	ssyncset.done $0x0  }
0x16d: {  	[sflag:s9] =	ssyncadd.s32 $0xFFFF6000  }
0x16e: {  	[tilespmem:s15], [sflag:$0x1] =	stream.indirect.gather [hbm4b:s3+s12], $0x20, s2, s12, $0xb8;
	[tilespmem:$0x14A00] =	vst v63  }
0x16f: {  	s0 =	rddreg [dreg:$0xc]  }
0x170: {  	[tilespmem:s12], [sflag:$0x4] =	stream.linear.gather [hbm4b:s0+s2], $0x500, $0x38;
	[tilespmem:$0x14A00] =	vst v63  }
0x171: {  	_ =	swait.ge [sflag:s14], $0x500  }
0x172: {  	[sflag:s14] =	ssyncset.done $0x0  }
0x173: {  	[sflag:s14] =	ssyncadd.s32 $0xFFFFFB00  }
0x174: {  	_ =	swait.ge [sflag:s10], $0xA000  }
0x175: {  	[sflag:s10] =	ssyncset.done $0x0  }
0x176: {  	s0 =	rddreg [dreg:$0xd];
	[sflag:s10] =	ssyncadd.s32 $0xFFFF6000  }
0x177: {  	[hbm4b:s0+s2] =	stream.linear.scatter [tilespmem:s15], [sflag:$0x2], $0xA000, $0x38;
	[tilespmem:$0x14A00] =	vst v63  }
0x178: {  	_ =	swait.ge [sflag:s7], $0xA000  }
0x179: {  	[sflag:s7] =	ssyncset.done $0x0  }
0x17a: {  	[sflag:s7] =	ssyncadd.s32 $0xFFFF6000  }
0x17b: {  	[tilespmem:s11], [sflag:$0x1] =	stream.indirect.gather [hbm4b:s3+s12], $0x20, s12, s12, $0xb8;
	[tilespmem:$0x14A00] =	vst v63  }
0x17c: {  	s0 =	rddreg [dreg:$0xe]  }
0x17d: {  	[tilespmem:s2], [sflag:$0x4] =	stream.linear.gather [hbm4b:s0+s2], $0x500, $0x38;
	[tilespmem:$0x14A00] =	vst v63  }
0x17e: {  	_ =	swait.ge [sflag:s14], $0x500  }
0x17f: {  	[sflag:s14] =	ssyncset.done $0x0  }
0x180: {  	[sflag:s14] =	ssyncadd.s32 $0xFFFFFB00  }
0x181: {  	_ =	swait.ge [sflag:s10], $0xA000  }
0x182: {  	[sflag:s10] =	ssyncset.done $0x0  }
0x183: {  	s0 =	rddreg [dreg:$0xf];
	[sflag:s10] =	ssyncadd.s32 $0xFFFF6000  }
0x184: {  	[hbm4b:s0+s2] =	stream.linear.scatter [tilespmem:s11], [sflag:$0x3], $0xA000, $0x38;
	[tilespmem:$0x14A00] =	vst v63  }
0x185: {  	_ =	swait.ge [sflag:s9], $0xA000  }
0x186: {  	[sflag:s9] =	ssyncset.done $0x0  }
0x187: {  	[sflag:s9] =	ssyncadd.s32 $0xFFFF6000  }
0x188: {  	[tilespmem:s15], [sflag:$0x1] =	stream.indirect.gather [hbm4b:s3+s12], $0x20, s2, s12, $0xb8;
	[tilespmem:$0x14A00] =	vst v63  }
0x189: {  	s0 =	rddreg [dreg:$0x10]  }
0x18a: {  	[tilespmem:s12], [sflag:$0x4] =	stream.linear.gather [hbm4b:s0+s2], $0x500, $0x38;
	[tilespmem:$0x14A00] =	vst v63  }
0x18b: {  	_ =	swait.ge [sflag:s14], $0x500  }
0x18c: {  	[sflag:s14] =	ssyncset.done $0x0  }
0x18d: {  	[sflag:s14] =	ssyncadd.s32 $0xFFFFFB00  }
0x18e: {  	_ =	swait.ge [sflag:s10], $0xA000  }
0x18f: {  	[sflag:s10] =	ssyncset.done $0x0  }
0x190: {  	s0 =	rddreg [dreg:$0x11];
	[sflag:s10] =	ssyncadd.s32 $0xFFFF6000  }
0x191: {  	[hbm4b:s0+s2] =	stream.linear.scatter [tilespmem:s15], [sflag:$0x2], $0xA000, $0x38;
	[tilespmem:$0x14A00] =	vst v63  }
0x192: {  	_ =	swait.ge [sflag:s7], $0xA000  }
0x193: {  	[sflag:s7] =	ssyncset.done $0x0  }
0x194: {  	[sflag:s7] =	ssyncadd.s32 $0xFFFF6000  }
0x195: {  	[tilespmem:s11], [sflag:$0x1] =	stream.indirect.gather [hbm4b:s3+s12], $0x20, s12, s12, $0xb8;
	[tilespmem:$0x14A00] =	vst v63  }
0x196: {  	s0 =	rddreg [dreg:$0x12]  }
0x197: {  	[tilespmem:s2], [sflag:$0x4] =	stream.linear.gather [hbm4b:s0+s2], $0x500, $0x38;
	[tilespmem:$0x14A00] =	vst v63  }
0x198: {  	_ =	swait.ge [sflag:s14], $0x500  }
0x199: {  	[sflag:s14] =	ssyncset.done $0x0  }
0x19a: {  	[sflag:s14] =	ssyncadd.s32 $0xFFFFFB00  }
0x19b: {  	_ =	swait.ge [sflag:s10], $0xA000  }
0x19c: {  	[sflag:s10] =	ssyncset.done $0x0  }
0x19d: {  	s0 =	rddreg [dreg:$0x13];
	[sflag:s10] =	ssyncadd.s32 $0xFFFF6000  }
0x19e: {  	[hbm4b:s0+s2] =	stream.linear.scatter [tilespmem:s11], [sflag:$0x3], $0xA000, $0x38;
	[tilespmem:$0x14A00] =	vst v63  }
0x19f: {  	_ =	swait.ge [sflag:s9], $0xA000  }
0x1a0: {  	[sflag:s9] =	ssyncset.done $0x0  }
0x1a1: {  	[sflag:s9] =	ssyncadd.s32 $0xFFFF6000  }
0x1a2: {  	[tilespmem:s15], [sflag:$0x1] =	stream.indirect.gather [hbm4b:s3+s12], $0x20, s2, s12, $0xb8;
	[tilespmem:$0x14A00] =	vst v63  }
0x1a3: {  	s0 =	rddreg [dreg:$0x14]  }
0x1a4: {  	[tilespmem:s12], [sflag:$0x4] =	stream.linear.gather [hbm4b:s0+s2], $0x500, $0x38;
	[tilespmem:$0x14A00] =	vst v63  }
0x1a5: {  	_ =	swait.ge [sflag:s14], $0x500  }
0x1a6: {  	[sflag:s14] =	ssyncset.done $0x0  }
0x1a7: {  	[sflag:s14] =	ssyncadd.s32 $0xFFFFFB00  }
0x1a8: {  	_ =	swait.ge [sflag:s10], $0xA000  }
0x1a9: {  	[sflag:s10] =	ssyncset.done $0x0  }
0x1aa: {  	s0 =	rddreg [dreg:$0x15];
	[sflag:s10] =	ssyncadd.s32 $0xFFFF6000  }
0x1ab: {  	[hbm4b:s0+s2] =	stream.linear.scatter [tilespmem:s15], [sflag:$0x2], $0xA000, $0x38;
	[tilespmem:$0x14A00] =	vst v63  }
0x1ac: {  	_ =	swait.ge [sflag:s7], $0xA000  }
0x1ad: {  	[sflag:s7] =	ssyncset.done $0x0  }
0x1ae: {  	[sflag:s7] =	ssyncadd.s32 $0xFFFF6000  }
0x1af: {  	[tilespmem:s11], [sflag:$0x1] =	stream.indirect.gather [hbm4b:s3+s12], $0x20, s12, s12, $0xb8;
	[tilespmem:$0x14A00] =	vst v63  }
0x1b0: {  	s0 =	rddreg [dreg:$0x16]  }
0x1b1: {  	[tilespmem:s2], [sflag:$0x4] =	stream.linear.gather [hbm4b:s0+s2], $0x500, $0x38;
	[tilespmem:$0x14A00] =	vst v63  }
0x1b2: {  	_ =	swait.ge [sflag:s14], $0x500  }
0x1b3: {  	[sflag:s14] =	ssyncset.done $0x0  }
0x1b4: {  	[sflag:s14] =	ssyncadd.s32 $0xFFFFFB00  }
0x1b5: {  	_ =	swait.ge [sflag:s10], $0xA000  }
0x1b6: {  	[sflag:s10] =	ssyncset.done $0x0  }
0x1b7: {  	[sflag:s10] =	ssyncadd.s32 $0xFFFF6000  }
0x1b8: {  	[hbm4b:s31+s2] =	stream.linear.scatter [tilespmem:s11], [sflag:$0x3], $0xA000, $0x38;
	[tilespmem:$0x14A00] =	vst v63  }
0x1b9: {  	_ =	swait.ge [sflag:s9], $0xA000  }
0x1ba: {  	[sflag:s9] =	ssyncset.done $0x0  }
0x1bb: {  	[sflag:s9] =	ssyncadd.s32 $0xFFFF6000  }
0x1bc: {  	[tilespmem:s15], [sflag:$0x1] =	stream.indirect.gather [hbm4b:s3+s12], $0x20, s2, s12, $0xb8;
	[tilespmem:$0x14A00] =	vst v63  }
0x1bd: {  	_ = 	snop  }
0x1be: {  	[tilespmem:s12], [sflag:$0x4] =	stream.linear.gather [hbm4b:s28+s2], $0x500, $0x38;
	[tilespmem:$0x14A00] =	vst v63  }
0x1bf: {  	_ =	swait.ge [sflag:s14], $0x500  }
0x1c0: {  	[sflag:s14] =	ssyncset.done $0x0  }
0x1c1: {  	[sflag:s14] =	ssyncadd.s32 $0xFFFFFB00  }
0x1c2: {  	_ =	swait.ge [sflag:s10], $0xA000  }
0x1c3: {  	[sflag:s10] =	ssyncset.done $0x0  }
0x1c4: {  	[sflag:s10] =	ssyncadd.s32 $0xFFFF6000  }
0x1c5: {  	[hbm4b:s30+s2] =	stream.linear.scatter [tilespmem:s15], [sflag:$0x2], $0xA000, $0x38;
	[tilespmem:$0x14A00] =	vst v63  }
0x1c6: {  	_ =	swait.ge [sflag:s7], $0xA000  }
0x1c7: {  	[sflag:s7] =	ssyncset.done $0x0  }
0x1c8: {  	[sflag:s7] =	ssyncadd.s32 $0xFFFF6000  }
0x1c9: {  	[tilespmem:s11], [sflag:$0x1] =	stream.indirect.gather [hbm4b:s3+s12], $0x20, s12, s12, $0xb8;
	[tilespmem:$0x14A00] =	vst v63  }
0x1ca: {  	_ = 	snop  }
0x1cb: {  	[tilespmem:s2], [sflag:$0x4] =	stream.linear.gather [hbm4b:s24+s2], $0x500, $0x38;
	[tilespmem:$0x14A00] =	vst v63  }
0x1cc: {  	_ =	swait.ge [sflag:s14], $0x500  }
0x1cd: {  	[sflag:s14] =	ssyncset.done $0x0  }
0x1ce: {  	[sflag:s14] =	ssyncadd.s32 $0xFFFFFB00  }
0x1cf: {  	_ =	swait.ge [sflag:s10], $0xA000  }
0x1d0: {  	[sflag:s10] =	ssyncset.done $0x0  }
0x1d1: {  	[sflag:s10] =	ssyncadd.s32 $0xFFFF6000  }
0x1d2: {  	[hbm4b:s29+s2] =	stream.linear.scatter [tilespmem:s11], [sflag:$0x3], $0xA000, $0x38;
	[tilespmem:$0x14A00] =	vst v63  }
0x1d3: {  	_ =	swait.ge [sflag:s9], $0xA000  }
0x1d4: {  	[sflag:s9] =	ssyncset.done $0x0  }
0x1d5: {  	[sflag:s9] =	ssyncadd.s32 $0xFFFF6000  }
0x1d6: {  	[tilespmem:s15], [sflag:$0x1] =	stream.indirect.gather [hbm4b:s3+s12], $0x20, s2, s12, $0xb8;
	[tilespmem:$0x14A00] =	vst v63  }
0x1d7: {  	_ = 	snop  }
0x1d8: {  	[tilespmem:s12], [sflag:$0x4] =	stream.linear.gather [hbm4b:s22+s2], $0x500, $0x38;
	[tilespmem:$0x14A00] =	vst v63  }
0x1d9: {  	_ =	swait.ge [sflag:s14], $0x500  }
0x1da: {  	[sflag:s14] =	ssyncset.done $0x0  }
0x1db: {  	[sflag:s14] =	ssyncadd.s32 $0xFFFFFB00  }
0x1dc: {  	_ =	swait.ge [sflag:s10], $0xA000  }
0x1dd: {  	[sflag:s10] =	ssyncset.done $0x0  }
0x1de: {  	[sflag:s10] =	ssyncadd.s32 $0xFFFF6000  }
0x1df: {  	[hbm4b:s26+s2] =	stream.linear.scatter [tilespmem:s15], [sflag:$0x2], $0xA000, $0x38;
	[tilespmem:$0x14A00] =	vst v63  }
0x1e0: {  	_ =	swait.ge [sflag:s7], $0xA000  }
0x1e1: {  	[sflag:s7] =	ssyncset.done $0x0  }
0x1e2: {  	[sflag:s7] =	ssyncadd.s32 $0xFFFF6000  }
0x1e3: {  	[tilespmem:s11], [sflag:$0x1] =	stream.indirect.gather [hbm4b:s3+s12], $0x20, s12, s12, $0xb8;
	[tilespmem:$0x14A00] =	vst v63  }
0x1e4: {  	_ = 	snop  }
0x1e5: {  	[tilespmem:s2], [sflag:$0x4] =	stream.linear.gather [hbm4b:s21+s2], $0x500, $0x38;
	[tilespmem:$0x14A00] =	vst v63  }
0x1e6: {  	_ =	swait.ge [sflag:s14], $0x500  }
0x1e7: {  	[sflag:s14] =	ssyncset.done $0x0  }
0x1e8: {  	[sflag:s14] =	ssyncadd.s32 $0xFFFFFB00  }
0x1e9: {  	_ =	swait.ge [sflag:s10], $0xA000  }
0x1ea: {  	[sflag:s10] =	ssyncset.done $0x0  }
0x1eb: {  	[sflag:s10] =	ssyncadd.s32 $0xFFFF6000  }
0x1ec: {  	[hbm4b:s25+s2] =	stream.linear.scatter [tilespmem:s11], [sflag:$0x3], $0xA000, $0x38;
	[tilespmem:$0x14A00] =	vst v63  }
0x1ed: {  	_ =	swait.ge [sflag:s9], $0xA000  }
0x1ee: {  	[sflag:s9] =	ssyncset.done $0x0  }
0x1ef: {  	[sflag:s9] =	ssyncadd.s32 $0xFFFF6000  }
0x1f0: {  	[tilespmem:s15], [sflag:$0x1] =	stream.indirect.gather [hbm4b:s3+s12], $0x20, s2, s12, $0xb8;
	[tilespmem:$0x14A00] =	vst v63  }
0x1f1: {  	_ = 	snop  }
0x1f2: {  	[tilespmem:s12], [sflag:$0x4] =	stream.linear.gather [hbm4b:s19+s2], $0x500, $0x38;
	[tilespmem:$0x14A00] =	vst v63  }
0x1f3: {  	_ =	swait.ge [sflag:s14], $0x500  }
0x1f4: {  	[sflag:s14] =	ssyncset.done $0x0  }
0x1f5: {  	[sflag:s14] =	ssyncadd.s32 $0xFFFFFB00  }
0x1f6: {  	_ =	swait.ge [sflag:s10], $0xA000  }
0x1f7: {  	[sflag:s10] =	ssyncset.done $0x0  }
0x1f8: {  	[sflag:s10] =	ssyncadd.s32 $0xFFFF6000  }
0x1f9: {  	[hbm4b:s23+s2] =	stream.linear.scatter [tilespmem:s15], [sflag:$0x2], $0xA000, $0x38;
	[tilespmem:$0x14A00] =	vst v63  }
0x1fa: {  	_ =	swait.ge [sflag:s7], $0xA000  }
0x1fb: {  	[sflag:s7] =	ssyncset.done $0x0  }
0x1fc: {  	[sflag:s7] =	ssyncadd.s32 $0xFFFF6000  }
0x1fd: {  	[tilespmem:s11], [sflag:$0x1] =	stream.indirect.gather [hbm4b:s3+s12], $0x20, s12, s12, $0xb8;
	[tilespmem:$0x14A00] =	vst v63  }
0x1fe: {  	_ = 	snop  }
0x1ff: {  	[tilespmem:s2], [sflag:$0x4] =	stream.linear.gather [hbm4b:s17+s2], $0x500, $0x38;
	[tilespmem:$0x14A00] =	vst v63  }
0x200: {  	_ =	swait.ge [sflag:s14], $0x500  }
0x201: {  	[sflag:s14] =	ssyncset.done $0x0  }
0x202: {  	[sflag:s14] =	ssyncadd.s32 $0xFFFFFB00  }
0x203: {  	_ =	swait.ge [sflag:s10], $0xA000  }
0x204: {  	[sflag:s10] =	ssyncset.done $0x0  }
0x205: {  	[sflag:s10] =	ssyncadd.s32 $0xFFFF6000  }
0x206: {  	[hbm4b:s20+s2] =	stream.linear.scatter [tilespmem:s11], [sflag:$0x3], $0xA000, $0x38;
	[tilespmem:$0x14A00] =	vst v63  }
0x207: {  	_ =	swait.ge [sflag:s9], $0xA000  }
0x208: {  	[sflag:s9] =	ssyncset.done $0x0  }
0x209: {  	[sflag:s9] =	ssyncadd.s32 $0xFFFF6000  }
0x20a: {  	[tilespmem:s15], [sflag:$0x1] =	stream.indirect.gather [hbm4b:s3+s12], $0x20, s2, s12, $0xb8;
	[tilespmem:$0x14A00] =	vst v63  }
0x20b: {  	_ = 	snop  }
0x20c: {  	[tilespmem:s12], [sflag:$0x4] =	stream.linear.gather [hbm4b:s13+s2], $0x500, $0x38;
	[tilespmem:$0x14A00] =	vst v63  }
0x20d: {  	_ =	swait.ge [sflag:s14], $0x500  }
0x20e: {  	[sflag:s14] =	ssyncset.done $0x0  }
0x20f: {  	[sflag:s14] =	ssyncadd.s32 $0xFFFFFB00  }
0x210: {  	_ =	swait.ge [sflag:s10], $0xA000  }
0x211: {  	[sflag:s10] =	ssyncset.done $0x0  }
0x212: {  	[sflag:s10] =	ssyncadd.s32 $0xFFFF6000  }
0x213: {  	[hbm4b:s18+s2] =	stream.linear.scatter [tilespmem:s15], [sflag:$0x2], $0xA000, $0x38;
	[tilespmem:$0x14A00] =	vst v63  }
0x214: {  	_ =	swait.ge [sflag:s7], $0xA000  }
0x215: {  	[sflag:s7] =	ssyncset.done $0x0  }
0x216: {  	[sflag:s7] =	ssyncadd.s32 $0xFFFF6000  }
0x217: {  	[tilespmem:s11], [sflag:$0x1] =	stream.indirect.gather [hbm4b:s3+s12], $0x20, s12, s12, $0xb8;
	[tilespmem:$0x14A00] =	vst v63  }
0x218: {  	_ = 	snop  }
0x219: {  	[tilespmem:s2], [sflag:$0x4] =	stream.linear.gather [hbm4b:s6+s2], $0x500, $0x38;
	[tilespmem:$0x14A00] =	vst v63  }
0x21a: {  	_ =	swait.ge [sflag:s14], $0x500  }
0x21b: {  	[sflag:s14] =	ssyncset.done $0x0  }
0x21c: {  	[sflag:s14] =	ssyncadd.s32 $0xFFFFFB00  }
0x21d: {  	_ =	swait.ge [sflag:s10], $0xA000  }
0x21e: {  	[sflag:s10] =	ssyncset.done $0x0  }
0x21f: {  	[sflag:s10] =	ssyncadd.s32 $0xFFFF6000  }
0x220: {  	[hbm4b:s16+s2] =	stream.linear.scatter [tilespmem:s11], [sflag:$0x3], $0xA000, $0x38;
	[tilespmem:$0x14A00] =	vst v63  }
0x221: {  	_ =	swait.ge [sflag:s9], $0xA000  }
0x222: {  	[sflag:s9] =	ssyncset.done $0x0  }
0x223: {  	[sflag:s9] =	ssyncadd.s32 $0xFFFF6000  }
0x224: {  	[tilespmem:s15], [sflag:$0x1] =	stream.indirect.gather [hbm4b:s3+s12], $0x20, s2, s12, $0xb8;
	[tilespmem:$0x14A00] =	vst v63  }
0x225: {  	_ = 	snop  }
0x226: {  	[tilespmem:s12], [sflag:$0x4] =	stream.linear.gather [hbm4b:s4+s2], $0x500, $0x38;
	[tilespmem:$0x14A00] =	vst v63  }
0x227: {  	_ =	swait.ge [sflag:s14], $0x500  }
0x228: {  	[sflag:s14] =	ssyncset.done $0x0  }
0x229: {  	[sflag:s14] =	ssyncadd.s32 $0xFFFFFB00  }
0x22a: {  	_ =	swait.ge [sflag:s10], $0xA000  }
0x22b: {  	[sflag:s10] =	ssyncset.done $0x0  }
0x22c: {  	[sflag:s10] =	ssyncadd.s32 $0xFFFF6000  }
0x22d: {  	[hbm4b:s8+s2] =	stream.linear.scatter [tilespmem:s15], [sflag:$0x2], $0xA000, $0x38;
	[tilespmem:$0x14A00] =	vst v63  }
0x22e: {  	_ =	swait.ge [sflag:s7], $0xA000  }
0x22f: {  	[sflag:s7] =	ssyncset.done $0x0  }
0x230: {  	[sflag:s7] =	ssyncadd.s32 $0xFFFF6000  }
0x231: {  	[tilespmem:s11], [sflag:$0x1] =	stream.indirect.gather [hbm4b:s3+s12], $0x20, s12, s12, $0xb8;
	[tilespmem:$0x14A00] =	vst v63  }
0x232: {  	_ =	swait.ge [sflag:s10], $0xA000  }
0x233: {  	[sflag:s10] =	ssyncset.done $0x0  }
0x234: {  	p1 =	sne.s32 s1, $0x1;
	[sflag:s10] =	ssyncadd.s32 $0xFFFF6000  }
0x235: {  	[hbm4b:s5+s2] =	stream.linear.scatter [tilespmem:s11], [sflag:$0x3], $0xA000, $0x38;
	[tilespmem:$0x14A00] =	vst v63  }
.Ltmp2:
0x236: {  	_ =	swait.ge [sflag:s9], $0xA000;
	(pc) =	sbr.rel @p1 .LBB2_2-.Ltmp2, $4  }
0x237: {  	[sflag:s9] =	ssyncset.done $0x0  }
0x238: {  	[sflag:s9] =	ssyncadd.s32 $0xFFFF6000  }
0x239: {  	_ =	swait.ge [sflag:s7], $0xA000  }
0x23a: {  	s1 =	sadd.s32 $0xFFFFFFFF, s1;
	s0 =	rddreg [dreg:$0x3];
	[sflag:s7] =	ssyncset.done $0x0  }
.LBB2_3:
0x23b: {  	[sflag:s7] =	ssyncadd.s32 @p0 $0xFFFF6000  }
0x23c: {  	[tilespmem:s2], [sflag:$0x4] =	stream.linear.gather [hbm4b:s0+s2], $0x500, $0x38;
	[tilespmem:$0x14A00] =	vst v63  }
0x23d: {  	_ =	swait.ge [sflag:s14], $0x500  }
0x23e: {  	[sflag:s14] =	ssyncset.done $0x0  }
0x23f: {  	[sflag:s14] =	ssyncadd.s32 $0xFFFFFB00  }
0x240: {  	[tilespmem:s15], [sflag:$0x1] =	stream.indirect.gather [hbm4b:s3+s12], $0x20, s2, s12, $0xb8;
	[tilespmem:$0x14A00] =	vst v63  }
0x241: {  	s1 =	rddreg [dreg:$0x4]  }
0x242: {  	[tilespmem:s12], [sflag:$0x4] =	stream.linear.gather [hbm4b:s1+s2], $0x500, $0x38;
	[tilespmem:$0x14A00] =	vst v63  }
0x243: {  	_ =	swait.ge [sflag:s14], $0x500  }
0x244: {  	[sflag:s14] =	ssyncset.done $0x0  }
0x245: {  	[sflag:s14] =	ssyncadd.s32 $0xFFFFFB00  }
0x246: {  	_ =	swait.ge [sflag:s10], $0xA000  }
0x247: {  	[sflag:s10] =	ssyncset.done $0x0  }
0x248: {  	s1 =	rddreg [dreg:$0x5];
	[sflag:s10] =	ssyncadd.s32 $0xFFFF6000  }
0x249: {  	[hbm4b:s1+s2] =	stream.linear.scatter [tilespmem:s15], [sflag:$0x2], $0xA000, $0x38;
	[tilespmem:$0x14A00] =	vst v63  }
0x24a: {  	_ = 	snop  }
0x24b: {  	[tilespmem:s11], [sflag:$0x1] =	stream.indirect.gather [hbm4b:s3+s12], $0x20, s12, s12, $0xb8;
	[tilespmem:$0x14A00] =	vst v63  }
0x24c: {  	s1 =	rddreg [dreg:$0x6]  }
0x24d: {  	[tilespmem:s2], [sflag:$0x4] =	stream.linear.gather [hbm4b:s1+s2], $0x500, $0x38;
	[tilespmem:$0x14A00] =	vst v63  }
0x24e: {  	_ =	swait.ge [sflag:s14], $0x500  }
0x24f: {  	[sflag:s14] =	ssyncset.done $0x0  }
0x250: {  	[sflag:s14] =	ssyncadd.s32 $0xFFFFFB00  }
0x251: {  	_ =	swait.ge [sflag:s10], $0xA000  }
0x252: {  	[sflag:s10] =	ssyncset.done $0x0  }
0x253: {  	s1 =	rddreg [dreg:$0x7];
	[sflag:s10] =	ssyncadd.s32 $0xFFFF6000  }
0x254: {  	[hbm4b:s1+s2] =	stream.linear.scatter [tilespmem:s11], [sflag:$0x3], $0xA000, $0x38;
	[tilespmem:$0x14A00] =	vst v63  }
0x255: {  	_ =	swait.ge [sflag:s9], $0xA000  }
0x256: {  	[sflag:s9] =	ssyncset.done $0x0  }
0x257: {  	[sflag:s9] =	ssyncadd.s32 $0xFFFF6000  }
0x258: {  	[tilespmem:s15], [sflag:$0x1] =	stream.indirect.gather [hbm4b:s3+s12], $0x20, s2, s12, $0xb8;
	[tilespmem:$0x14A00] =	vst v63  }
0x259: {  	s1 =	rddreg [dreg:$0x8]  }
0x25a: {  	[tilespmem:s12], [sflag:$0x4] =	stream.linear.gather [hbm4b:s1+s2], $0x500, $0x38;
	[tilespmem:$0x14A00] =	vst v63  }
0x25b: {  	_ =	swait.ge [sflag:s14], $0x500  }
0x25c: {  	[sflag:s14] =	ssyncset.done $0x0  }
0x25d: {  	[sflag:s14] =	ssyncadd.s32 $0xFFFFFB00  }
0x25e: {  	_ =	swait.ge [sflag:s10], $0xA000  }
0x25f: {  	[sflag:s10] =	ssyncset.done $0x0  }
0x260: {  	s1 =	rddreg [dreg:$0x9];
	[sflag:s10] =	ssyncadd.s32 $0xFFFF6000  }
0x261: {  	[hbm4b:s1+s2] =	stream.linear.scatter [tilespmem:s15], [sflag:$0x2], $0xA000, $0x38;
	[tilespmem:$0x14A00] =	vst v63  }
0x262: {  	_ =	swait.ge [sflag:s7], $0xA000  }
0x263: {  	[sflag:s7] =	ssyncset.done $0x0  }
0x264: {  	[sflag:s7] =	ssyncadd.s32 $0xFFFF6000  }
0x265: {  	[tilespmem:s11], [sflag:$0x1] =	stream.indirect.gather [hbm4b:s3+s12], $0x20, s12, s12, $0xb8;
	[tilespmem:$0x14A00] =	vst v63  }
0x266: {  	s1 =	rddreg [dreg:$0xa]  }
0x267: {  	[tilespmem:s2], [sflag:$0x4] =	stream.linear.gather [hbm4b:s1+s2], $0x500, $0x38;
	[tilespmem:$0x14A00] =	vst v63  }
0x268: {  	_ =	swait.ge [sflag:s14], $0x500  }
0x269: {  	[sflag:s14] =	ssyncset.done $0x0  }
0x26a: {  	[sflag:s14] =	ssyncadd.s32 $0xFFFFFB00  }
0x26b: {  	_ =	swait.ge [sflag:s10], $0xA000  }
0x26c: {  	[sflag:s10] =	ssyncset.done $0x0  }
0x26d: {  	s1 =	rddreg [dreg:$0xb];
	[sflag:s10] =	ssyncadd.s32 $0xFFFF6000  }
0x26e: {  	[hbm4b:s1+s2] =	stream.linear.scatter [tilespmem:s11], [sflag:$0x3], $0xA000, $0x38;
	[tilespmem:$0x14A00] =	vst v63  }
0x26f: {  	_ =	swait.ge [sflag:s9], $0xA000  }
0x270: {  	[sflag:s9] =	ssyncset.done $0x0  }
0x271: {  	[sflag:s9] =	ssyncadd.s32 $0xFFFF6000  }
0x272: {  	[tilespmem:s15], [sflag:$0x1] =	stream.indirect.gather [hbm4b:s3+s12], $0x20, s2, s12, $0xb8;
	[tilespmem:$0x14A00] =	vst v63  }
0x273: {  	s1 =	rddreg [dreg:$0xc]  }
0x274: {  	[tilespmem:s12], [sflag:$0x4] =	stream.linear.gather [hbm4b:s1+s2], $0x500, $0x38;
	[tilespmem:$0x14A00] =	vst v63  }
0x275: {  	_ =	swait.ge [sflag:s14], $0x500  }
0x276: {  	[sflag:s14] =	ssyncset.done $0x0  }
0x277: {  	[sflag:s14] =	ssyncadd.s32 $0xFFFFFB00  }
0x278: {  	_ =	swait.ge [sflag:s10], $0xA000  }
0x279: {  	[sflag:s10] =	ssyncset.done $0x0  }
0x27a: {  	s1 =	rddreg [dreg:$0xd];
	[sflag:s10] =	ssyncadd.s32 $0xFFFF6000  }
0x27b: {  	[hbm4b:s1+s2] =	stream.linear.scatter [tilespmem:s15], [sflag:$0x2], $0xA000, $0x38;
	[tilespmem:$0x14A00] =	vst v63  }
0x27c: {  	_ =	swait.ge [sflag:s7], $0xA000  }
0x27d: {  	[sflag:s7] =	ssyncset.done $0x0  }
0x27e: {  	[sflag:s7] =	ssyncadd.s32 $0xFFFF6000  }
0x27f: {  	[tilespmem:s11], [sflag:$0x1] =	stream.indirect.gather [hbm4b:s3+s12], $0x20, s12, s12, $0xb8;
	[tilespmem:$0x14A00] =	vst v63  }
0x280: {  	s1 =	rddreg [dreg:$0xe]  }
0x281: {  	[tilespmem:s2], [sflag:$0x4] =	stream.linear.gather [hbm4b:s1+s2], $0x500, $0x38;
	[tilespmem:$0x14A00] =	vst v63  }
0x282: {  	_ =	swait.ge [sflag:s14], $0x500  }
0x283: {  	[sflag:s14] =	ssyncset.done $0x0  }
0x284: {  	[sflag:s14] =	ssyncadd.s32 $0xFFFFFB00  }
0x285: {  	_ =	swait.ge [sflag:s10], $0xA000  }
0x286: {  	[sflag:s10] =	ssyncset.done $0x0  }
0x287: {  	s1 =	rddreg [dreg:$0xf];
	[sflag:s10] =	ssyncadd.s32 $0xFFFF6000  }
0x288: {  	[hbm4b:s1+s2] =	stream.linear.scatter [tilespmem:s11], [sflag:$0x3], $0xA000, $0x38;
	[tilespmem:$0x14A00] =	vst v63  }
0x289: {  	_ =	swait.ge [sflag:s9], $0xA000  }
0x28a: {  	[sflag:s9] =	ssyncset.done $0x0  }
0x28b: {  	[sflag:s9] =	ssyncadd.s32 $0xFFFF6000  }
0x28c: {  	[tilespmem:s15], [sflag:$0x1] =	stream.indirect.gather [hbm4b:s3+s12], $0x20, s2, s12, $0xb8;
	[tilespmem:$0x14A00] =	vst v63  }
0x28d: {  	s1 =	rddreg [dreg:$0x10]  }
0x28e: {  	[tilespmem:s12], [sflag:$0x4] =	stream.linear.gather [hbm4b:s1+s2], $0x500, $0x38;
	[tilespmem:$0x14A00] =	vst v63  }
0x28f: {  	_ =	swait.ge [sflag:s14], $0x500  }
0x290: {  	[sflag:s14] =	ssyncset.done $0x0  }
0x291: {  	[sflag:s14] =	ssyncadd.s32 $0xFFFFFB00  }
0x292: {  	_ =	swait.ge [sflag:s10], $0xA000  }
0x293: {  	[sflag:s10] =	ssyncset.done $0x0  }
0x294: {  	s1 =	rddreg [dreg:$0x11];
	[sflag:s10] =	ssyncadd.s32 $0xFFFF6000  }
0x295: {  	[hbm4b:s1+s2] =	stream.linear.scatter [tilespmem:s15], [sflag:$0x2], $0xA000, $0x38;
	[tilespmem:$0x14A00] =	vst v63  }
0x296: {  	_ =	swait.ge [sflag:s7], $0xA000  }
0x297: {  	[sflag:s7] =	ssyncset.done $0x0  }
0x298: {  	[sflag:s7] =	ssyncadd.s32 $0xFFFF6000  }
0x299: {  	[tilespmem:s11], [sflag:$0x1] =	stream.indirect.gather [hbm4b:s3+s12], $0x20, s12, s12, $0xb8;
	[tilespmem:$0x14A00] =	vst v63  }
0x29a: {  	s1 =	rddreg [dreg:$0x12]  }
0x29b: {  	[tilespmem:s2], [sflag:$0x4] =	stream.linear.gather [hbm4b:s1+s2], $0x500, $0x38;
	[tilespmem:$0x14A00] =	vst v63  }
0x29c: {  	_ =	swait.ge [sflag:s14], $0x500  }
0x29d: {  	[sflag:s14] =	ssyncset.done $0x0  }
0x29e: {  	[sflag:s14] =	ssyncadd.s32 $0xFFFFFB00  }
0x29f: {  	_ =	swait.ge [sflag:s10], $0xA000  }
0x2a0: {  	[sflag:s10] =	ssyncset.done $0x0  }
0x2a1: {  	s1 =	rddreg [dreg:$0x13];
	[sflag:s10] =	ssyncadd.s32 $0xFFFF6000  }
0x2a2: {  	[hbm4b:s1+s2] =	stream.linear.scatter [tilespmem:s11], [sflag:$0x3], $0xA000, $0x38;
	[tilespmem:$0x14A00] =	vst v63  }
0x2a3: {  	_ =	swait.ge [sflag:s9], $0xA000  }
0x2a4: {  	[sflag:s9] =	ssyncset.done $0x0  }
0x2a5: {  	[sflag:s9] =	ssyncadd.s32 $0xFFFF6000  }
0x2a6: {  	[tilespmem:s15], [sflag:$0x1] =	stream.indirect.gather [hbm4b:s3+s12], $0x20, s2, s12, $0xb8;
	[tilespmem:$0x14A00] =	vst v63  }
0x2a7: {  	s1 =	rddreg [dreg:$0x14]  }
0x2a8: {  	[tilespmem:s12], [sflag:$0x4] =	stream.linear.gather [hbm4b:s1+s2], $0x500, $0x38;
	[tilespmem:$0x14A00] =	vst v63  }
0x2a9: {  	_ =	swait.ge [sflag:s14], $0x500  }
0x2aa: {  	[sflag:s14] =	ssyncset.done $0x0  }
0x2ab: {  	[sflag:s14] =	ssyncadd.s32 $0xFFFFFB00  }
0x2ac: {  	_ =	swait.ge [sflag:s10], $0xA000  }
0x2ad: {  	[sflag:s10] =	ssyncset.done $0x0  }
0x2ae: {  	s1 =	rddreg [dreg:$0x15];
	[sflag:s10] =	ssyncadd.s32 $0xFFFF6000  }
0x2af: {  	[hbm4b:s1+s2] =	stream.linear.scatter [tilespmem:s15], [sflag:$0x2], $0xA000, $0x38;
	[tilespmem:$0x14A00] =	vst v63  }
0x2b0: {  	_ =	swait.ge [sflag:s7], $0xA000  }
0x2b1: {  	[sflag:s7] =	ssyncset.done $0x0  }
0x2b2: {  	[sflag:s7] =	ssyncadd.s32 $0xFFFF6000  }
0x2b3: {  	[tilespmem:s11], [sflag:$0x1] =	stream.indirect.gather [hbm4b:s3+s12], $0x20, s12, s12, $0xb8;
	[tilespmem:$0x14A00] =	vst v63  }
0x2b4: {  	s1 =	rddreg [dreg:$0x16]  }
0x2b5: {  	[tilespmem:s2], [sflag:$0x4] =	stream.linear.gather [hbm4b:s1+s2], $0x500, $0x38;
	[tilespmem:$0x14A00] =	vst v63  }
0x2b6: {  	_ =	swait.ge [sflag:s14], $0x500  }
0x2b7: {  	[sflag:s14] =	ssyncset.done $0x0  }
0x2b8: {  	[sflag:s14] =	ssyncadd.s32 $0xFFFFFB00  }
0x2b9: {  	_ =	swait.ge [sflag:s10], $0xA000  }
0x2ba: {  	[sflag:s10] =	ssyncset.done $0x0  }
0x2bb: {  	[sflag:s10] =	ssyncadd.s32 $0xFFFF6000  }
0x2bc: {  	[hbm4b:s31+s2] =	stream.linear.scatter [tilespmem:s11], [sflag:$0x3], $0xA000, $0x38;
	[tilespmem:$0x14A00] =	vst v63  }
0x2bd: {  	_ =	swait.ge [sflag:s9], $0xA000  }
0x2be: {  	[sflag:s9] =	ssyncset.done $0x0  }
0x2bf: {  	[sflag:s9] =	ssyncadd.s32 $0xFFFF6000  }
0x2c0: {  	[tilespmem:s15], [sflag:$0x1] =	stream.indirect.gather [hbm4b:s3+s12], $0x20, s2, s12, $0xb8;
	[tilespmem:$0x14A00] =	vst v63  }
0x2c1: {  	_ = 	snop  }
0x2c2: {  	[tilespmem:s12], [sflag:$0x4] =	stream.linear.gather [hbm4b:s28+s2], $0x500, $0x38;
	[tilespmem:$0x14A00] =	vst v63  }
0x2c3: {  	_ =	swait.ge [sflag:s14], $0x500  }
0x2c4: {  	[sflag:s14] =	ssyncset.done $0x0  }
0x2c5: {  	[sflag:s14] =	ssyncadd.s32 $0xFFFFFB00  }
0x2c6: {  	_ =	swait.ge [sflag:s10], $0xA000  }
0x2c7: {  	[sflag:s10] =	ssyncset.done $0x0  }
0x2c8: {  	[sflag:s10] =	ssyncadd.s32 $0xFFFF6000  }
0x2c9: {  	[hbm4b:s30+s2] =	stream.linear.scatter [tilespmem:s15], [sflag:$0x2], $0xA000, $0x38;
	[tilespmem:$0x14A00] =	vst v63  }
0x2ca: {  	_ =	swait.ge [sflag:s7], $0xA000  }
0x2cb: {  	[sflag:s7] =	ssyncset.done $0x0  }
0x2cc: {  	[sflag:s7] =	ssyncadd.s32 $0xFFFF6000  }
0x2cd: {  	[tilespmem:s11], [sflag:$0x1] =	stream.indirect.gather [hbm4b:s3+s12], $0x20, s12, s12, $0xb8;
	[tilespmem:$0x14A00] =	vst v63  }
0x2ce: {  	_ = 	snop  }
0x2cf: {  	[tilespmem:s2], [sflag:$0x4] =	stream.linear.gather [hbm4b:s24+s2], $0x500, $0x38;
	[tilespmem:$0x14A00] =	vst v63  }
0x2d0: {  	_ =	swait.ge [sflag:s14], $0x500  }
0x2d1: {  	[sflag:s14] =	ssyncset.done $0x0  }
0x2d2: {  	[sflag:s14] =	ssyncadd.s32 $0xFFFFFB00  }
0x2d3: {  	_ =	swait.ge [sflag:s10], $0xA000  }
0x2d4: {  	[sflag:s10] =	ssyncset.done $0x0  }
0x2d5: {  	[sflag:s10] =	ssyncadd.s32 $0xFFFF6000  }
0x2d6: {  	[hbm4b:s29+s2] =	stream.linear.scatter [tilespmem:s11], [sflag:$0x3], $0xA000, $0x38;
	[tilespmem:$0x14A00] =	vst v63  }
0x2d7: {  	_ =	swait.ge [sflag:s9], $0xA000  }
0x2d8: {  	[sflag:s9] =	ssyncset.done $0x0  }
0x2d9: {  	[sflag:s9] =	ssyncadd.s32 $0xFFFF6000  }
0x2da: {  	[tilespmem:s15], [sflag:$0x1] =	stream.indirect.gather [hbm4b:s3+s12], $0x20, s2, s12, $0xb8;
	[tilespmem:$0x14A00] =	vst v63  }
0x2db: {  	_ = 	snop  }
0x2dc: {  	[tilespmem:s12], [sflag:$0x4] =	stream.linear.gather [hbm4b:s22+s2], $0x500, $0x38;
	[tilespmem:$0x14A00] =	vst v63  }
0x2dd: {  	_ =	swait.ge [sflag:s14], $0x500  }
0x2de: {  	[sflag:s14] =	ssyncset.done $0x0  }
0x2df: {  	[sflag:s14] =	ssyncadd.s32 $0xFFFFFB00  }
0x2e0: {  	_ =	swait.ge [sflag:s10], $0xA000  }
0x2e1: {  	[sflag:s10] =	ssyncset.done $0x0  }
0x2e2: {  	[sflag:s10] =	ssyncadd.s32 $0xFFFF6000  }
0x2e3: {  	[hbm4b:s26+s2] =	stream.linear.scatter [tilespmem:s15], [sflag:$0x2], $0xA000, $0x38;
	[tilespmem:$0x14A00] =	vst v63  }
0x2e4: {  	_ =	swait.ge [sflag:s7], $0xA000  }
0x2e5: {  	[sflag:s7] =	ssyncset.done $0x0  }
0x2e6: {  	[sflag:s7] =	ssyncadd.s32 $0xFFFF6000  }
0x2e7: {  	[tilespmem:s11], [sflag:$0x1] =	stream.indirect.gather [hbm4b:s3+s12], $0x20, s12, s12, $0xb8;
	[tilespmem:$0x14A00] =	vst v63  }
0x2e8: {  	_ = 	snop  }
0x2e9: {  	[tilespmem:s2], [sflag:$0x4] =	stream.linear.gather [hbm4b:s21+s2], $0x500, $0x38;
	[tilespmem:$0x14A00] =	vst v63  }
0x2ea: {  	_ =	swait.ge [sflag:s14], $0x500  }
0x2eb: {  	[sflag:s14] =	ssyncset.done $0x0  }
0x2ec: {  	[sflag:s14] =	ssyncadd.s32 $0xFFFFFB00  }
0x2ed: {  	_ =	swait.ge [sflag:s10], $0xA000  }
0x2ee: {  	[sflag:s10] =	ssyncset.done $0x0  }
0x2ef: {  	[sflag:s10] =	ssyncadd.s32 $0xFFFF6000  }
0x2f0: {  	[hbm4b:s25+s2] =	stream.linear.scatter [tilespmem:s11], [sflag:$0x3], $0xA000, $0x38;
	[tilespmem:$0x14A00] =	vst v63  }
0x2f1: {  	_ =	swait.ge [sflag:s9], $0xA000  }
0x2f2: {  	[sflag:s9] =	ssyncset.done $0x0  }
0x2f3: {  	[sflag:s9] =	ssyncadd.s32 $0xFFFF6000  }
0x2f4: {  	[tilespmem:s15], [sflag:$0x1] =	stream.indirect.gather [hbm4b:s3+s12], $0x20, s2, s12, $0xb8;
	[tilespmem:$0x14A00] =	vst v63  }
0x2f5: {  	_ = 	snop  }
0x2f6: {  	[tilespmem:s12], [sflag:$0x4] =	stream.linear.gather [hbm4b:s19+s2], $0x500, $0x38;
	[tilespmem:$0x14A00] =	vst v63  }
0x2f7: {  	_ =	swait.ge [sflag:s14], $0x500  }
0x2f8: {  	[sflag:s14] =	ssyncset.done $0x0  }
0x2f9: {  	[sflag:s14] =	ssyncadd.s32 $0xFFFFFB00  }
0x2fa: {  	_ =	swait.ge [sflag:s10], $0xA000  }
0x2fb: {  	[sflag:s10] =	ssyncset.done $0x0  }
0x2fc: {  	[sflag:s10] =	ssyncadd.s32 $0xFFFF6000  }
0x2fd: {  	[hbm4b:s23+s2] =	stream.linear.scatter [tilespmem:s15], [sflag:$0x2], $0xA000, $0x38;
	[tilespmem:$0x14A00] =	vst v63  }
0x2fe: {  	_ =	swait.ge [sflag:s7], $0xA000  }
0x2ff: {  	[sflag:s7] =	ssyncset.done $0x0  }
0x300: {  	[sflag:s7] =	ssyncadd.s32 $0xFFFF6000  }
0x301: {  	[tilespmem:s11], [sflag:$0x1] =	stream.indirect.gather [hbm4b:s3+s12], $0x20, s12, s12, $0xb8;
	[tilespmem:$0x14A00] =	vst v63  }
0x302: {  	_ = 	snop  }
0x303: {  	[tilespmem:s2], [sflag:$0x4] =	stream.linear.gather [hbm4b:s17+s2], $0x500, $0x38;
	[tilespmem:$0x14A00] =	vst v63  }
0x304: {  	_ =	swait.ge [sflag:s14], $0x500  }
0x305: {  	[sflag:s14] =	ssyncset.done $0x0  }
0x306: {  	[sflag:s14] =	ssyncadd.s32 $0xFFFFFB00  }
0x307: {  	_ =	swait.ge [sflag:s10], $0xA000  }
0x308: {  	[sflag:s10] =	ssyncset.done $0x0  }
0x309: {  	[sflag:s10] =	ssyncadd.s32 $0xFFFF6000  }
0x30a: {  	[hbm4b:s20+s2] =	stream.linear.scatter [tilespmem:s11], [sflag:$0x3], $0xA000, $0x38;
	[tilespmem:$0x14A00] =	vst v63  }
0x30b: {  	_ =	swait.ge [sflag:s9], $0xA000  }
0x30c: {  	[sflag:s9] =	ssyncset.done $0x0  }
0x30d: {  	[sflag:s9] =	ssyncadd.s32 $0xFFFF6000  }
0x30e: {  	[tilespmem:s15], [sflag:$0x1] =	stream.indirect.gather [hbm4b:s3+s12], $0x20, s2, s12, $0xb8;
	[tilespmem:$0x14A00] =	vst v63  }
0x30f: {  	_ = 	snop  }
0x310: {  	[tilespmem:s12], [sflag:$0x4] =	stream.linear.gather [hbm4b:s13+s2], $0x500, $0x38;
	[tilespmem:$0x14A00] =	vst v63  }
0x311: {  	_ =	swait.ge [sflag:s14], $0x500  }
0x312: {  	[sflag:s14] =	ssyncset.done $0x0  }
0x313: {  	[sflag:s14] =	ssyncadd.s32 $0xFFFFFB00  }
0x314: {  	_ =	swait.ge [sflag:s10], $0xA000  }
0x315: {  	[sflag:s10] =	ssyncset.done $0x0  }
0x316: {  	[sflag:s10] =	ssyncadd.s32 $0xFFFF6000  }
0x317: {  	[hbm4b:s18+s2] =	stream.linear.scatter [tilespmem:s15], [sflag:$0x2], $0xA000, $0x38;
	[tilespmem:$0x14A00] =	vst v63  }
0x318: {  	_ =	swait.ge [sflag:s7], $0xA000  }
0x319: {  	[sflag:s7] =	ssyncset.done $0x0  }
0x31a: {  	[sflag:s7] =	ssyncadd.s32 $0xFFFF6000  }
0x31b: {  	[tilespmem:s11], [sflag:$0x1] =	stream.indirect.gather [hbm4b:s3+s12], $0x20, s12, s12, $0xb8;
	[tilespmem:$0x14A00] =	vst v63  }
0x31c: {  	_ = 	snop  }
0x31d: {  	[tilespmem:s2], [sflag:$0x4] =	stream.linear.gather [hbm4b:s6+s2], $0x500, $0x38;
	[tilespmem:$0x14A00] =	vst v63  }
0x31e: {  	_ =	swait.ge [sflag:s14], $0x500  }
0x31f: {  	[sflag:s14] =	ssyncset.done $0x0  }
0x320: {  	[sflag:s14] =	ssyncadd.s32 $0xFFFFFB00  }
0x321: {  	_ =	swait.ge [sflag:s10], $0xA000  }
0x322: {  	[sflag:s10] =	ssyncset.done $0x0  }
0x323: {  	[sflag:s10] =	ssyncadd.s32 $0xFFFF6000  }
0x324: {  	[hbm4b:s16+s2] =	stream.linear.scatter [tilespmem:s11], [sflag:$0x3], $0xA000, $0x38;
	[tilespmem:$0x14A00] =	vst v63  }
0x325: {  	_ =	swait.ge [sflag:s9], $0xA000  }
0x326: {  	[sflag:s9] =	ssyncset.done $0x0  }
0x327: {  	[sflag:s9] =	ssyncadd.s32 $0xFFFF6000  }
0x328: {  	[tilespmem:s15], [sflag:$0x1] =	stream.indirect.gather [hbm4b:s3+s12], $0x20, s2, s12, $0xb8;
	[tilespmem:$0x14A00] =	vst v63  }
0x329: {  	_ = 	snop  }
0x32a: {  	[tilespmem:s12], [sflag:$0x4] =	stream.linear.gather [hbm4b:s4+s2], $0x500, $0x38;
	[tilespmem:$0x14A00] =	vst v63  }
0x32b: {  	_ =	swait.ge [sflag:s14], $0x500  }
0x32c: {  	[sflag:s14] =	ssyncset.done $0x0  }
0x32d: {  	[sflag:s14] =	ssyncadd.s32 $0xFFFFFB00  }
0x32e: {  	_ =	swait.ge [sflag:s10], $0xA000  }
0x32f: {  	[sflag:s10] =	ssyncset.done $0x0  }
0x330: {  	[sflag:s10] =	ssyncadd.s32 $0xFFFF6000  }
0x331: {  	[hbm4b:s8+s2] =	stream.linear.scatter [tilespmem:s15], [sflag:$0x2], $0xA000, $0x38;
	[tilespmem:$0x14A00] =	vst v63  }
0x332: {  	_ =	swait.ge [sflag:s7], $0xA000  }
0x333: {  	[sflag:s7] =	ssyncset.done $0x0  }
0x334: {  	[sflag:s7] =	ssyncadd.s32 $0xFFFF6000  }
0x335: {  	[tilespmem:s11], [sflag:$0x1] =	stream.indirect.gather [hbm4b:s3+s12], $0x20, s12, s12, $0xb8;
	[tilespmem:$0x14A00] =	vst v63  }
0x336: {  	_ =	swait.ge [sflag:s10], $0xA000  }
0x337: {  	[sflag:s10] =	ssyncset.done $0x0  }
0x338: {  	[sflag:s10] =	ssyncadd.s32 $0xFFFF6000  }
0x339: {  	[hbm4b:s5+s2] =	stream.linear.scatter [tilespmem:s11], [sflag:$0x3], $0xA000, $0x38;
	[tilespmem:$0x14A00] =	vst v63  }
0x33a: {  	_ =	swait.ge [sflag:s9], $0xA000  }
0x33b: {  	[sflag:s9] =	ssyncset.done $0x0  }
0x33c: {  	[sflag:s9] =	ssyncadd.s32 $0xFFFF6000  }
0x33d: {  	_ =	swait.ge [sflag:s7], $0xA000  }
0x33e: {  	[sflag:s7] =	ssyncset.done $0x0  }
0x33f: {  	[sflag:s7] =	ssyncadd.s32 $0xFFFF6000  }
0x340: {  	_ =	sfence.sel $0x180000  }
0x341: {  	[bflag:$0x0] =	sbarrier.arrive $0xFFFF  }
0x342: {  	_ =	strace $0x90000047  }
0x343: {  	s31 =	stileid.u32;
	[bflag:$0x2] =	sbarrier.arrive $0xFFFF  }
0x344: {  	p0 =	sne.s32 s31, $0x0;
	s0 =	rddreg [dreg:$0x2]  }
0x345: {  	s0 =	sadd.s32 @!p0 $0x100000, s0  }
0x346: {  	[sflag:s0] =	ssyncadd.tile.s32 @!p0 $0x1;
	_ =	shalt  }
.Lfunc_end2:
_tile_overlayer_lowered:
.L_overlay_start_2:
0x347: {  	(tag) =	ssettag $0x2  }
0x348: {  	s0 =	rddreg [dreg:$0x0];
	s2 =	stileid.u32  }
0x349: {  	s1 =	rddreg [dreg:$0x1];
	p0 =	sne.s32 s2, $0x0  }
0x34a: {  	s3 =	rddreg [dreg:$0x2];
	[bflag:$0x3] =	sbarrier.arrive $0xFFFF;
	s2 =	simm.s32 @!p0 $0x1C04  }
0x34b: {  	[timem:s3], [sflag:s2] =	dma.local @!p0 [hbm:s0], s1  }
0x34c: {  	s0 =	simm.s32 @!p0 $0x4  }
0x34d: {  	_ =	swait.ge @!p0 [sflag:s0], s1  }
0x34e: {  	s1 =	ssub.s32 @!p0 $0x0, s1;
	[sflag:s0] =	ssyncset.done @!p0 $0x0  }
0x34f: {  	[sflag:s0] =	ssyncadd.s32 @!p0 s1  }
0x350: {  	[bflag:$0x3] =	sbarrier.arrive $0xFFFF  }
0x351: {  	_ =	shalt  }

// kernel: sparse-core-data-format-call.cloned.1.call-start
scs
called_computation_lowered:
.L_overlay_start_0:
0x0: {  	s2 =	sld [smem:$0x3FD9]  }
0x1: {  	s3 =	sld [smem:$0x3FFE];
	_ =	sdelay $0x1  }
0x2: {  	s1 =	srdreg.scid  }
0x3: {  	s0 =	sand.u32 $0x1, s1  }
0x4: {  	s18 =	sshll.u32 s0, $0xA;
	s2 =	sadd.s32 s3, s2  }
0x5: {  	s2 =	sadd.s32 s2, s18  }
0x6: {  	[smem:$0x3FC6] =	sst s2  }
0x7: {  	_ = 	snop  }
0x8: {  	s2 =	sld [smem:$0x3FD0];
	(tm) =	ssettm $0x1  }
0x9: {  	s19 =	sld [smem:$0x3FFB];
	_ =	sdelay $0x3  }
0xa: {  	_ =	strace s19  }
0xb: {  	s3 =	sld [smem:$0x3FFC];
	_ =	sdelay $0x3  }
0xc: {  	_ =	strace s3  }
0xd: {  	s3 =	sld [smem:$0x3FFD];
	_ =	sdelay $0x3  }
0xe: {  	_ =	strace s3  }
0xf: {  	_ =	strace $0x8FFFFFFF  }
0x10: {  	s20 =	sld [smem:$0x3FDB];
	_ =	sdelay $0x1  }
0x11: {  	s4 =	simm.s32 $_scs_section_size  }
0x12: {  	s5 =	simm.s32 $_size__tile_overlayer_lowered;
	s6 =	simm.s32 $_tile_overlayer_lowered  }
0x13: {  	s23 =	simm.s32 $0x1BFF;
	s22 =	sshll.u32 s6, $0x1;
	s3 =	sadd.s32 s4, s20  }
0x14: {  	s7 =	simm.s32 $0x0;
	s21 =	sshll.u32 s5, $0x1;
	s5 =	sadd.s32 s22, s3  }
0x15: {  	[timem:s7], [sflag:s23] =	dma.local [hbm:s5], s21  }
0x16: {  	_ =	swait.ge [sflag:s23], s21  }
0x17: {  	s4 =	ssub.s32 $0x0, s21;
	[sflag:s23] =	ssyncset.done $0x0  }
0x18: {  	[sflag:s23] =	ssyncadd.s32 s4;
	_ =	sdelay $0x1  }
0x19: {  	s24 =	simm.s32 $0x1B8B  }
0x1a: {  	_ =	swait.ge [sflag:s24], $0x1  }
0x1b: {  	[sflag:s24] =	ssyncset.done $0x0  }
0x1c: {  	s26 =	simm.s32 $0x1B8E;
	s25 =	sld [smem:$0x3FFE];
	[sflag:s24] =	ssyncadd.s32 $0xFFFFFFFF  }
0x1d: {  	s27 =	simm.s32 $execute0_lowered;
	[smem:$0x3FD2] =	sst s26  }
0x1e: {  	s5 =	sshll.u32 s27, $0x1;
	_ =	strace $0x80000049;
	[dreg:$0x1] =	wrdreg $0xFFFFFFFF  }
0x1f: {  	s28 =	simm.s32 $_size_execute0_lowered;
	s3 =	sadd.s32 s3, s5;
	[dreg:$0x0] =	wrdreg $0x0  }
0x20: {  	s5 =	sshll.u32 s28, $0x1;
	[dreg:$0x2] =	wrdreg s3  }
0x21: {  	[dreg:$0x3] =	wrdreg s5  }
0x22: {  	[dreg:$0x4] =	wrdreg $0xC0  }
0x23: {  	_ =	task [dreg:s7], $0x5FFFF  }
0x24: {  	[dreg:$0x1] =	wrdreg $0xFFFFFFFF  }
0x25: {  	[dreg:$0x0] =	wrdreg $0x60  }
0x26: {  	[dreg:$0x2] =	wrdreg s25  }
0x27: {  	[dreg:$0x3] =	wrdreg s2  }
0x28: {  	[dreg:$0x4] =	wrdreg $0x9  }
0x29: {  	_ =	task.clear_ibuf [dreg:s7], $0x5FFFF;
	_ =	strace $0x90000049  }
0x2a: {  	s29 =	simm.s32 $0x9;
	_ =	strace $0x8000004B  }
0x2b: {  	_ =	swait.ge [sflag:s29], $0x1  }
0x2c: {  	[sflag:s29] =	ssyncadd.s32 $0xFFFFFFFF  }
0x2d: {  	_ =	strace $0x9000004B  }
0x2e: {  	_ =	sfence  }
0x2f: {  	s30 =	sld [smem:$0x0];
	_ =	sdelay $0x2  }
0x30: {  	s31 =	sshll.u32 s1, $0xD;
	s1 =	sshrl.u32 s1, $0x2  }
0x31: {  	s3 =	sand.u32 $0x4000, s31;
	s1 =	sadd.s32 s1, s30  }
0x32: {  	s0 =	sor.u32 s3, s0;
	s1 =	sshll.u32 s1, $0x11  }
0x33: {  	s0 =	sor.u32 s1, s0  }
0x34: {  	s0 =	sadd.s32 $0x8F2B, s0  }
0x35: {  	[sflag:s0] =	ssyncadd.remote.s32 $0x1  }
0x36: {  	_ =	sfence.sel $0xFFFF  }
0x37: {  	[dreg:$0x0] =	wrdreg $0xFFFFFFFF;
	(pc) =	sbr.abs _section_cstart, $3  }
0x38: {  	[dreg:$0x1] =	wrdreg $0xFFFFFFFF  }
0x39: {  	_ =	task.clear_ibuf [dreg:s7], $0x2FFFF;
	_ =	strace $0x9FFFFFFF  }
0x3a: {  	(tm) =	ssettm $0x7FFFFFFF  }
0x3b: {  	_ =	shalt  }
tec
execute0_lowered:
.L_overlay_start_1:
0x0: {  	(tag) =	ssettag $0x1  }
0x1: {  	s0 =	srdreg.scid  }
0x2: {  	s1 =	sshll.u32 s0, $0x4  }
0x3: {  	s0 =	stileid.u32;
	s1 =	sand.u32 $0x10, s1  }
0x4: {  	s7 =	rddreg [dreg:$0x0];
	s1 =	sor.u32 s0, s1  }
0x5: {  	s4 =	simm.s32 $0x1;
	s8 =	simm.s32 $0x2;
	s2 =	sshll.u32 s1, $0x7  }
0x6: {  	s13 =	simm.s32 $0x0;
	s9 =	simm.s32 $0x20000;
	s1 =	ssub.s32 $0x4000, s2  }
0x7: {  	s14 =	simm.s32 $0x0;
	s11 =	simm.s32 $0x0;
	s3 =	sand.u32 $0xF80, s1  }
0x8: {  	s12 =	simm.s32 $0x0;
	s5 =	sshrl.u32 s1, $0xC;
	p0 =	sne.s32 s3, $0x0  }
.Ltmp0:
0x9: {  	s1 =	rddreg [dreg:$0x2];
	s4 =	simm.s32 @!p0 $0x0;
	(pc) =	sbr.rel .LBB1_1-.Ltmp0, $4  }
0xa: {  	s6 =	sadd.s32 $0xA00, s7;
	s3 =	rddreg [dreg:$0x1];
	s5 =	sadd.s32 s4, s5  }
0xb: {  	_ =	strace $0x8000004A;
	s4 =	simm.s32 $0x1;
	s5 =	smul.u32 $0x19, s5  }
0xc: {  	s7 =	sadd.s32 $0x40A00, s7;
	s10 =	smov.u32 s2;
	[sflag:s4] =	ssyncpa.u1 $0x0  }
0xd: {  	p0 =	por $0x0, $0x0;
	[sflag:s8] =	ssyncpa.u1 $0x0;
	s8 =	sadd.s32 $0x1, s5  }
.LBB1_7:
0xe: {  	s15 =	sadd.s32 $0x1000, s10  }
0xf: {  	s13 =	sadd.s32 $0x2, s11;
	s17 =	smov.u32 s11;
	p2 =	sgt.s32 s15, $0x3FFF  }
0x10: {  	s17 =	smov.u32 @p2 s13  }
0x11: {  	s15 =	smov.u32 @p2 s2;
	p2 =	sgt.s32 s17, $0x31  }
0x12: {  	s17 =	simm.s32 @p2 $0x0;
	p2 =	sne.s32 s12, s8  }
.Ltmp1:
0x13: {  	p1 =	slt.u32 s12, $0x2;
	(pc) =	sbr.rel @!p2 .LBB1_8-.Ltmp1, $4  }
0x14: {  	s16 =	simm.s32 @!p1 $0x2  }
0x15: {  	s14 =	smov.u32 s11;
	p0 =	por !p0, !p0;
	_ =	swait.ge @!p1 [sflag:s16], $0x2000  }
0x16: {  	s13 =	smov.u32 s10;
	[sflag:s16] =	ssyncset.done @!p1 $0x0;
	s10 =	smov.u32 s15  }
0x17: {  	s12 =	sadd.s32 $0x1, s12;
	[sflag:s16] =	ssyncadd.s32 @!p1 $0xFFFFE000;
	s11 =	smov.u32 s17  }
.LBB1_1:
0x18: {  	p1 =	sge.u32 s12, s5  }
0x19: {  	s15 =	sxor.u32 @!p1 $0xFFFFFFFF, s12;
	s16 =	sshll.u32 @!p1 s11, $0x12  }
0x1a: {  	s17 =	sshll.u32 @!p1 s10, $0x4;
	s19 =	simm.s32 @!p1 $0x20;
	s20 =	simm.s32 @!p1 $0x80  }
0x1b: {  	s15 =	sshll.u32 @!p1 s15, $0xD;
	s17 =	sand.u32 @!p1 $0x3FFF0, s17;
	s18 =	sadd.s32 @!p1 s6, s16  }
0x1c: {  	s16 =	sadd.s32 @!p1 s16, s7;
	s15 =	sand.u32 @!p1 $0x2000, s15;
	s18 =	sadd.s32 @!p1 s17, s18  }
0x1d: {  	[tilespmem:s15], [sflag:$0x1] =	stream.strided.gather @!p1 [hbm4b:s18+s19], $0x1000, s20, s19, $0x38;
	[tilespmem:$0x8080] =	vst v63  }
0x1e: {  	s31 =	sadd.s32 $0xFFFFFFFF, s12;
	s16 =	sadd.s32 @!p1 s17, s16;
	s15 =	sor.u32 @!p1 $0x1000, s15  }
0x1f: {  	[tilespmem:s15], [sflag:$0x1] =	stream.strided.gather @!p1 [hbm4b:s16+s19], $0x1000, s20, s19, $0x38;
	[tilespmem:$0x8080] =	vst v63  }
0x20: {  	p1 =	sge.u32 s31, s5  }
.Ltmp2:
0x21: {  	_ = 	snop;
	(pc) =	sbr.rel @p1 .LBB1_7-.Ltmp2, $1  }
0x22: {  	_ =	sdelay $0x3  }
0x23: {  	s15 =	simm.s32 $0x1;
	s17 =	sand.u32 $0x1, s12  }
0x24: {  	_ =	swait.ge [sflag:s4], $0x2000;
	s15 =	simm.s32 @!p0 $0x0;
	s17 =	smul.u32 $0x8100, s17  }
0x25: {  	p2 =	por $0x1, $0x1;
	[sflag:s4] =	ssyncset.done $0x0;
	s16 =	smul.u32 $0x8100, s15  }
0x26: {  	s18 =	sshll.u32 s15, $0xF;
	[sflag:s4] =	ssyncadd.s32 $0xFFFFE000;
	s30 =	sshrl.u32 s17, $0x2  }
0x27: {  	s31 =	sshrl.u32 s18, $0x2;
	s18 =	simm.s32 $0x0;
	s16 =	sshrl.u32 s16, $0x2  }
0x28: {  	s15 =	sor.u32 $0x4000, s30;
	s17 =	sadd.s32 $0x10, s31;
	s16 =	sor.u32 $0x4000, s16  }
.LBB1_3:
0x29: {  	s19 =	sshll.u32 s18, $0xC  }
0x2a: {  	s19 =	sand.u32 $0x3FFFF000, s19  }
0x2b: {  	s20 =	sadd.s32 s19, s17  }
0x2c: {  	s31 =	smul.u32 $0x4080, s18;
	v1 =	vld [tilespmem:s20+$0x0]  }
0x2d: {  	v0 =	vld [tilespmem:s20+$0xFFFFFFF0]  }
0x2e: {  	s18 =	sshra.s32 s31, $0x2  }
0x2f: {  	s18 =	sadd.s32 s18, s16  }
0x30: {  	s21 =	sadd.s32 $0x0, s18  }
0x31: {  	p1 =	por p2, p2;
	s19 =	simm.s32 $0x4;
	s20 =	sadd.s32 $0x20, s20;
	[tilespmem:s21+$0x810 ss:$0x81] =	vst.msk $0xffff, v1  }
.LBB1_4:
0x32: {  	v1 =	vld [tilespmem:s20+$0x0];
	p2 =	sne.s32 s19, $0x1FC;
	[tilespmem:s21+$0x0 ss:$0x81] =	vst.msk $0xffff, v0;
	s21 =	smov.u32 s19;
	s19 =	sadd.s32 $0x4, s19  }
.Ltmp3:
0x33: {  	v0 =	vld [tilespmem:s20+$0xFFFFFFF0];
	(pc) =	sbr.rel @p2 .LBB1_4-.Ltmp3, $4  }
0x34: {  	_ = 	snop  }
0x35: {  	s21 =	sshra.s32 s21, $0x2  }
0x36: {  	s21 =	sadd.s32 s21, s18  }
0x37: {  	s20 =	sadd.s32 $0x20, s20;
	[tilespmem:s21+$0x810 ss:$0x81] =	vst.msk $0xffff, v1  }
.Ltmp4:
0x38: {  	(pc) =	sbr.rel @p1 .LBB1_3-.Ltmp4, $2  }
0x39: {  	_ =	sdelay $0x2  }
0x3a: {  	[tilespmem:s21+$0x0 ss:$0x81] =	vst.msk $0xffff, v0;
	s18 =	simm.s32 $0x1;
	p2 =	por $0x0, $0x0  }
0x3b: {  	s16 =	sshll.u32 s13, $0x3;
	s17 =	sand.u32 $0x78, s13;
	s14 =	sshll.u32 s14, $0x10  }
.Ltmp5:
0x3c: {  	s30 =	sand.u32 $0xF800, s13;
	s16 =	sand.u32 $0x3C00, s16;
	(pc) =	sbr.rel .LBB1_7-.Ltmp5, $4  }
0x3d: {  	s31 =	sand.u32 $0x7, s13;
	s14 =	sadd.s32 s3, s14;
	s16 =	sor.u32 s17, s16  }
0x3e: {  	s13 =	sshll.u32 s31, $0x12;
	s14 =	sadd.s32 s30, s14;
	s16 =	sshrl.u32 s16, $0x3  }
0x3f: {  	s13 =	sor.u32 $0x400, s13;
	s14 =	sadd.s32 s16, s14  }
0x40: {  	[hbm4b:s14+s13] =	stream.strided.scatter [tilespmem:s15], [sflag:$0x2], $0x2000, s9, s13, $0x20;
	[tilespmem:$0x8080] =	vst v63  }
.LBB1_8:
0x41: {  	_ =	sfence.sel $0x180000  }
0x42: {  	s2 =	simm.s32 $0x1;
	[bflag:$0x0] =	sbarrier.arrive $0xFFFF  }
0x43: {  	s31 =	simm.s32 $0x2;
	[sflag:s2] =	ssyncpa.u1 $0x1  }
0x44: {  	[sflag:s31] =	ssyncpa.u1 $0x1  }
0x45: {  	p0 =	sne.s32 s0, $0x0;
	_ =	strace $0x9000004A  }
0x46: {  	s0 =	sadd.s32 @!p0 $0x100000, s1;
	[bflag:$0x2] =	sbarrier.arrive $0xFFFF  }
0x47: {  	[sflag:s0] =	ssyncadd.tile.s32 @!p0 $0x1;
	_ =	shalt  }
.Lfunc_end1:
_tile_overlayer_lowered:
.L_overlay_start_2:
0x48: {  	(tag) =	ssettag $0x2  }
0x49: {  	s0 =	rddreg [dreg:$0x0];
	s2 =	stileid.u32  }
0x4a: {  	s1 =	rddreg [dreg:$0x1];
	p0 =	sne.s32 s2, $0x0  }
0x4b: {  	s3 =	rddreg [dreg:$0x2];
	[bflag:$0x3] =	sbarrier.arrive $0xFFFF;
	s2 =	simm.s32 @!p0 $0x1C01  }
0x4c: {  	[timem:s3], [sflag:s2] =	dma.local @!p0 [hbm:s0], s1  }
0x4d: {  	s0 =	simm.s32 @!p0 $0x1  }
0x4e: {  	_ =	swait.ge @!p0 [sflag:s0], s1  }
0x4f: {  	s1 =	ssub.s32 @!p0 $0x0, s1;
	[sflag:s0] =	ssyncset.done @!p0 $0x0  }
0x50: {  	[sflag:s0] =	ssyncadd.s32 @!p0 s1  }
0x51: {  	[bflag:$0x3] =	sbarrier.arrive $0xFFFF  }
0x52: {  	_ =	shalt  }

</sc_bundles>
